<compile_context>
chip_gen: v7x
topology: tpu7x:2x2x1
jax: 0.10.2.dev20260603
libtpu: 0.0.44.dev20260713+nightly
codegen_flags: <defaults>
</compile_context>

<pallas_src>
import numpy as np
import jax
import jax.numpy as jnp
from jax.experimental import pallas as pl

_KNEI = 64


def _fps_kernel(px_ref, py_ref, o_ref):
    px = px_ref[...]
    py = py_ref[...]
    Bb, Np = px.shape
    S = o_ref.shape[0]
    iota = jax.lax.broadcasted_iota(jnp.int32, (Bb, Np), 1)
    o_ref[pl.ds(0, 1), :] = jnp.zeros((1, Bb), jnp.int32)

    def body(i, carry):
        dists, lastx, lasty = carry
        d = (px - lastx) ** 2 + (py - lasty) ** 2
        dists = jnp.minimum(dists, d)
        m = jnp.max(dists, axis=1, keepdims=True)
        cand = jnp.where(dists == m, iota, Np)
        nxt = jnp.min(cand, axis=1)
        o_ref[pl.ds(i, 1), :] = nxt.reshape(1, Bb)
        onehot = iota == nxt[:, None]
        lastx = jnp.sum(jnp.where(onehot, px, 0.0), axis=1, keepdims=True)
        lasty = jnp.sum(jnp.where(onehot, py, 0.0), axis=1, keepdims=True)
        return dists, lastx, lasty

    dists0 = jnp.full((Bb, Np), jnp.inf, jnp.float32)
    jax.lax.fori_loop(1, S, body, (dists0, px[:, 0:1], py[:, 0:1]))


def _fps_batched(pos, n_sample):
    Bb, Np = pos.shape[0], pos.shape[1]
    px = pos[..., 0]
    py = pos[..., 1]
    idx = pl.pallas_call(
        _fps_kernel,
        grid=(1,),
        in_specs=[
            pl.BlockSpec((Bb, Np), lambda i: (0, 0)),
            pl.BlockSpec((Bb, Np), lambda i: (0, 0)),
        ],
        out_specs=pl.BlockSpec((n_sample, Bb), lambda i: (0, 0)),
        out_shape=jax.ShapeDtypeStruct((n_sample, Bb), jnp.int32),
    )(px, py)
    return idx.T


def _msg_kernel(xj_ref, valid_ref, w_ref, b_ref, o_ref):
    xv = xj_ref[...]
    r, k, cin = xv.shape
    m = jnp.dot(xv.reshape(r * k, cin), w_ref[...],
                preferred_element_type=jnp.float32) + b_ref[...]
    m = m.reshape(r, k, -1)
    m = jnp.where(valid_ref[...][..., None] > 0.0, m, -jnp.inf)
    o_ref[...] = jnp.max(m, axis=1)


def _msg_max(xj, valid, W, b, block_rows=64):
    M, K, Cin = xj.shape
    Cout = W.shape[1]
    Mp = int(np.ceil(M / block_rows)) * block_rows
    if Mp != M:
        xj = jnp.pad(xj, ((0, Mp - M), (0, 0), (0, 0)))
        valid = jnp.pad(valid, ((0, Mp - M), (0, 0)))
    out = pl.pallas_call(
        _msg_kernel,
        grid=(Mp // block_rows,),
        in_specs=[
            pl.BlockSpec((block_rows, K, Cin), lambda i: (i, 0, 0)),
            pl.BlockSpec((block_rows, K), lambda i: (i, 0)),
            pl.BlockSpec((Cin, Cout), lambda i: (0, 0)),
            pl.BlockSpec((1, Cout), lambda i: (0, 0)),
        ],
        out_specs=pl.BlockSpec((block_rows, Cout), lambda i: (i, 0)),
        out_shape=jax.ShapeDtypeStruct((Mp, Cout), jnp.float32),
    )(xj, valid, W, b.reshape(1, Cout))
    return out[:M]


def _linear_kernel(x_ref, w_ref, b_ref, o_ref):
    o_ref[...] = jnp.dot(x_ref[...], w_ref[...],
                         preferred_element_type=jnp.float32) + b_ref[...]


def _linear(x, W, b, block_rows=512):
    M, Cin = x.shape
    Cout = W.shape[1]
    Mp = int(np.ceil(M / block_rows)) * block_rows
    if Mp != M:
        x = jnp.pad(x, ((0, Mp - M), (0, 0)))
    out = pl.pallas_call(
        _linear_kernel,
        grid=(Mp // block_rows,),
        in_specs=[
            pl.BlockSpec((block_rows, Cin), lambda i: (i, 0)),
            pl.BlockSpec((Cin, Cout), lambda i: (0, 0)),
            pl.BlockSpec((1, Cout), lambda i: (0, 0)),
        ],
        out_specs=pl.BlockSpec((block_rows, Cout), lambda i: (i, 0)),
        out_shape=jax.ShapeDtypeStruct((Mp, Cout), jnp.float32),
    )(x, W, b.reshape(1, Cout))
    return out[:M]


def _gmax_kernel(x_ref, w_ref, b_ref, o_ref):
    g = jnp.dot(x_ref[0], w_ref[...],
                preferred_element_type=jnp.float32) + b_ref[...]
    o_ref[...] = jnp.max(g, axis=0).reshape(o_ref.shape)


def _global_max(x, W, b):
    Bb, S, Cin = x.shape
    Cout = W.shape[1]
    out = pl.pallas_call(
        _gmax_kernel,
        grid=(Bb,),
        in_specs=[
            pl.BlockSpec((1, S, Cin), lambda i: (i, 0, 0)),
            pl.BlockSpec((Cin, Cout), lambda i: (0, 0)),
            pl.BlockSpec((1, Cout), lambda i: (0, 0)),
        ],
        out_specs=pl.BlockSpec((1, 1, Cout), lambda i: (i, 0, 0)),
        out_shape=jax.ShapeDtypeStruct((Bb, 1, Cout), jnp.float32),
    )(x, W, b.reshape(1, Cout))
    return out


def _set_abstraction(feat, pos, ratio, r, W, b):
    Bb, Np = pos.shape[0], pos.shape[1]
    S = int(np.ceil(ratio * Np))
    idx = _fps_batched(pos, S)
    pos_dst = jnp.take_along_axis(pos, idx[..., None], axis=1)
    d2 = jnp.sum((pos_dst[:, :, None, :] - pos[:, None, :, :]) ** 2, axis=-1)
    within = d2 <= r * r
    K = min(_KNEI, Np)
    neg = jnp.where(within, -d2, -jnp.inf)
    vals, nbr = jax.lax.top_k(neg, K)
    valid = (vals > -jnp.inf).astype(jnp.float32)
    flat = nbr.reshape(Bb, -1)
    pos_j = jnp.take_along_axis(pos, flat[..., None], axis=1).reshape(
        Bb, S, K, pos.shape[-1])
    rel = pos_j - pos_dst[:, :, None, :]
    x_j = jnp.take_along_axis(feat, flat[..., None], axis=1).reshape(
        Bb, S, K, feat.shape[-1])
    msg_in = jnp.concatenate([x_j, rel], axis=-1)
    Cin = msg_in.shape[-1]
    out = _msg_max(msg_in.reshape(Bb * S, K, Cin), valid.reshape(Bb * S, K),
                   W, b)
    return out.reshape(Bb, S, -1), pos_dst


def _knn_interpolate(x, pos, pos_skip, k=8):
    Bb, Ns = pos_skip.shape[0], pos_skip.shape[1]
    d2 = jnp.sum((pos_skip[:, :, None, :] - pos[:, None, :, :]) ** 2, axis=-1)
    negd, nbr = jax.lax.top_k(-d2, k)
    w = 1.0 / jnp.maximum(-negd, 1e-16)
    x_j = jnp.take_along_axis(
        x, nbr.reshape(Bb, -1)[..., None], axis=1).reshape(Bb, Ns, k, x.shape[-1])
    return jnp.sum(x_j * w[..., None], axis=2) / jnp.sum(w, axis=2, keepdims=True)


def kernel(x, zones_ids, boundary_id, W0, b0, Wlf, blf, W1, b1, W2, b2, W3, b3):
    pos = x
    feats = jnp.concatenate([x, zones_ids, boundary_id], axis=2)
    Bb, Np = pos.shape[0], pos.shape[1]
    lx, lpos = _set_abstraction(feats, pos, 0.6, 0.2, W0, b0)
    ly = _knn_interpolate(lx, lpos, pos, k=8)
    lf_in = jnp.concatenate([ly, feats], axis=-1)
    local_features = _linear(
        lf_in.reshape(Bb * Np, lf_in.shape[-1]), Wlf, blf).reshape(Bb, Np, -1)
    g1, p1 = _set_abstraction(feats, pos, 0.5, 0.5, W1, b1)
    g2, p2 = _set_abstraction(g1, p1, 0.25, 0.8, W2, b2)
    g_in = jnp.concatenate([g2, p2], axis=-1)
    global_feature = _global_max(g_in, W3, b3)
    return local_features, global_feature

# --- scband reference (transcript-rebuilt; emitter-appended) ---
"""Pipeline reference for scband-encoder-pp-local-3444563771850 (READ-ONLY COPY).

The authoritative reference and input builder live on the scoring server;
editing this copy changes nothing except your own understanding.
"""

import jax, jax.numpy as jnp
import numpy as np

B, N = 4, 2048
KNEI = 64


def fps(pos, n_sample):
    Np = pos.shape[0]
    def body(i, state):
        idx, dists, last = state
        d = jnp.sum((pos - pos[last]) ** 2, axis=-1)
        dists = jnp.minimum(dists, d)
        nxt = jnp.argmax(dists).astype(jnp.int32)
        return idx.at[i].set(nxt), dists, nxt
    idx0 = jnp.zeros((n_sample,), dtype=jnp.int32)
    d0 = jnp.full((Np,), jnp.inf, dtype=pos.dtype)
    idx, _, _ = jax.lax.fori_loop(1, n_sample, body, (idx0, d0, jnp.int32(0)))
    return idx


def set_abstraction(feat, pos, ratio, r, W, b):
    Bb, Np = pos.shape[0], pos.shape[1]
    S = int(np.ceil(ratio * Np))
    idx = jax.vmap(lambda p: fps(p, S))(pos)
    pos_dst = jnp.take_along_axis(pos, idx[..., None], axis=1)
    d2 = jnp.sum((pos_dst[:, :, None, :] - pos[:, None, :, :]) ** 2, axis=-1)
    within = d2 <= r * r
    K = min(KNEI, Np)
    neg = jnp.where(within, -d2, -jnp.inf)
    vals, nbr = jax.lax.top_k(neg, K)
    valid = vals > -jnp.inf
    flat = nbr.reshape(Bb, -1)
    pos_j = jnp.take_along_axis(pos, flat[..., None], axis=1).reshape(Bb, S, K, pos.shape[-1])
    rel = pos_j - pos_dst[:, :, None, :]
    x_j = jnp.take_along_axis(feat, flat[..., None], axis=1).reshape(Bb, S, K, feat.shape[-1])
    msg = jnp.concatenate([x_j, rel], axis=-1) @ W + b
    msg = jnp.where(valid[..., None], msg, -jnp.inf)
    out = jnp.max(msg, axis=2)
    return out, pos_dst


def knn_interpolate(x, pos, pos_skip, k=8):
    Bb, Ns = pos_skip.shape[0], pos_skip.shape[1]
    d2 = jnp.sum((pos_skip[:, :, None, :] - pos[:, None, :, :]) ** 2, axis=-1)
    negd, nbr = jax.lax.top_k(-d2, k)
    w = 1.0 / jnp.maximum(-negd, 1e-16)
    x_j = jnp.take_along_axis(x, nbr.reshape(Bb, -1)[..., None], axis=1).reshape(Bb, Ns, k, x.shape[-1])
    return jnp.sum(x_j * w[..., None], axis=2) / jnp.sum(w, axis=2, keepdims=True)


def setup_inputs(seed: int = 0):
    key = jax.random.key(seed)
    ks = jax.random.split(key, 16)
    def lin(kk, fin, fout):
        return jax.random.normal(kk, (fin, fout), dtype=jnp.float32) / np.sqrt(fin)
    return {
        "x": jax.random.normal(ks[0], (B, N, 2), dtype=jnp.float32),
        "zones_ids": jax.random.normal(ks[1], (B, N, 4), dtype=jnp.float32),
        "boundary_id": jax.random.normal(ks[2], (B, N, 1), dtype=jnp.float32),
        "W0": lin(ks[3], 9, 64), "b0": jnp.zeros((64,), jnp.float32),
        "Wlf": lin(ks[4], 71, 64), "blf": jnp.zeros((64,), jnp.float32),
        "W1": lin(ks[5], 9, 64), "b1": jnp.zeros((64,), jnp.float32),
        "W2": lin(ks[6], 66, 128), "b2": jnp.zeros((128,), jnp.float32),
        "W3": lin(ks[7], 130, 1024), "b3": jnp.zeros((1024,), jnp.float32),
    }


def reference(x, zones_ids, boundary_id, W0, b0, Wlf, blf, W1, b1, W2, b2, W3, b3):
    pos = x
    feats = jnp.concatenate([x, zones_ids, boundary_id], axis=2)
    # local branch: SetAbstraction(0.6, 0.2) then knn_interpolate(k=8) + skip-concat + MLP
    lx, lpos = set_abstraction(feats, pos, 0.6, 0.2, W0, b0)
    ly = knn_interpolate(lx, lpos, pos, k=8)
    local_features = jnp.concatenate([ly, feats], axis=-1) @ Wlf + blf
    # global branch: SA(0.5,0.5) -> SA(0.25,0.8) -> GlobalSetAbstraction
    g1, p1 = set_abstraction(feats, pos, 0.5, 0.5, W1, b1)
    g2, p2 = set_abstraction(g1, p1, 0.25, 0.8, W2, b2)
    g = jnp.concatenate([g2, p2], axis=-1) @ W3 + b3
    global_feature = jnp.max(g, axis=1)[:, None, :]
    return local_features, global_feature

if __name__ == "__main__":
    import jax
    _d = setup_inputs()
    print(jax.jit(kernel)(*tuple(_d.values())))

</pallas_src>

<mosaic_0001>
module attributes {stable_mosaic.version = 14 : i64} {
  func.func @_fps_kernel(%arg0: i32, %arg1: memref<4x2048xf32, #tpu.memory_space<vmem>>, %arg2: memref<4x2048xf32, #tpu.memory_space<vmem>>, %arg3: memref<1229x4xi32, #tpu.memory_space<vmem>>) attributes {dimension_semantics = [#tpu.dimension_semantics<arbitrary>], iteration_bounds = array<i64: 1>, scalar_prefetch = 0 : i64, scratch_operands = 0 : i64, tpu.core_type = #tpu.core_type<tc>, window_params = [{pipeline_mode = #tpu.pipeline_mode<synchronous>, transform_indices = @transform_0, window_bounds = array<i64: 4, 2048>}, {pipeline_mode = #tpu.pipeline_mode<synchronous>, transform_indices = @transform_1, window_bounds = array<i64: 4, 2048>}, {pipeline_mode = #tpu.pipeline_mode<synchronous>, transform_indices = @transform_2, window_bounds = array<i64: 1229, 4>}]} {
    %get3A = arith.constant 0 : index
    %get3A_0 = arith.constant 0 : index
    %get3A_1 = vector.load %arg1[%get3A, %get3A_0] : memref<4x2048xf32, #tpu.memory_space<vmem>>, vector<4x2048xf32>
    %get3A_2 = arith.constant 0 : index
    %get3A_3 = arith.constant 0 : index
    %get3A_4 = vector.load %arg2[%get3A_2, %get3A_3] : memref<4x2048xf32, #tpu.memory_space<vmem>>, vector<4x2048xf32>
    %iota3A = tpu.iota {dimensions = array<i32: 1>} : vector<4x2048xi32>
    %broadcast_in_dim3A = arith.constant 0 : i32
    %broadcast_in_dim3A_5 = vector.broadcast %broadcast_in_dim3A : i32 to vector<1x4xi32>
    %swap3A = arith.constant 0 : index
    %swap3A_6 = arith.constant 0 : index
    %swap3A_7 = vector.load %arg3[%swap3A, %swap3A_6] : memref<1229x4xi32, #tpu.memory_space<vmem>>, vector<1x4xi32>
    tpu.vector_store %arg3[%swap3A, %swap3A_6], %broadcast_in_dim3A_5 {strides = array<i32>} : memref<1229x4xi32, #tpu.memory_space<vmem>>, vector<1x4xi32>,
    %broadcast_in_dim3A_8 = arith.constant 0x7F800000 : f32
    %broadcast_in_dim3A_9 = vector.broadcast %broadcast_in_dim3A_8 : f32 to vector<4x2048xf32>
    %slice3A = vector.extract_strided_slice %get3A_1 {offsets = [0, 0], sizes = [4, 1], strides = [1, 1]} : vector<4x2048xf32> to vector<4x1xf32>
    %slice3A_10 = vector.extract_strided_slice %get3A_4 {offsets = [0, 0], sizes = [4, 1], strides = [1, 1]} : vector<4x2048xf32> to vector<4x1xf32>
    %scan3A = arith.constant 1 : i32
    %scan3A_11 = arith.constant 1228 : i32
    %scan3A_12 = arith.addi %scan3A, %scan3A_11 : i32
    %scan3A_13 = arith.constant 1 : i32
    %scan3A_14:3 = scf.for %scan3A_16 = %scan3A to %scan3A_12 step %scan3A_13 iter_args(%scan3A_17 = %broadcast_in_dim3A_9, %scan3A_18 = %slice3A, %scan3A_19 = %slice3A_10) -> (vector<4x2048xf32>, vector<4x1xf32>, vector<4x1xf32>)  : i32 {
      %sub3A = vector.broadcast %scan3A_18 : vector<4x1xf32> to vector<4x2048xf32>
      %sub3A_20 = arith.subf %get3A_1, %sub3A : vector<4x2048xf32>
      %integer_pow3A = arith.mulf %sub3A_20, %sub3A_20 : vector<4x2048xf32>
      %sub3A_21 = vector.broadcast %scan3A_19 : vector<4x1xf32> to vector<4x2048xf32>
      %sub3A_22 = arith.subf %get3A_4, %sub3A_21 : vector<4x2048xf32>
      %integer_pow3A_23 = arith.mulf %sub3A_22, %sub3A_22 : vector<4x2048xf32>
      %add3A = arith.addf %integer_pow3A, %integer_pow3A_23 : vector<4x2048xf32>
      %min3A = arith.minimumf %scan3A_17, %add3A : vector<4x2048xf32>
      %reduce_max3A = arith.constant dense<0xFF800000> : vector<4xf32>
      %reduce_max3A_24 = vector.multi_reduction <maximumf>, %min3A, %reduce_max3A [1] : vector<4x2048xf32> to vector<4xf32>
      %broadcast_in_dim3A_25 = vector.shape_cast %reduce_max3A_24 : vector<4xf32> to vector<4x1xf32>
      %eq3A = vector.broadcast %broadcast_in_dim3A_25 : vector<4x1xf32> to vector<4x2048xf32>
      %eq3A_26 = arith.cmpf oeq, %min3A, %eq3A : vector<4x2048xf32>
      %jit3A = arith.constant 2048 : i32
      %broadcast_in_dim3A_27 = vector.broadcast %jit3A : i32 to vector<4x2048xi32>
      %select_n3A = arith.select %eq3A_26, %iota3A, %broadcast_in_dim3A_27 : vector<4x2048xi1>, vector<4x2048xi32>
      %reduce_min3A = arith.constant dense<2147483647> : vector<4xi32>
      %reduce_min3A_28 = vector.multi_reduction <minsi>, %select_n3A, %reduce_min3A [1] : vector<4x2048xi32> to vector<4xi32>
      %reshape3A = vector.shape_cast %reduce_min3A_28 : vector<4xi32> to vector<1x4xi32>
      %swap3A_29 = arith.index_cast %scan3A_16 : i32 to index
      %swap3A_30 = arith.constant 0 : index
      %swap3A_31 = vector.load %arg3[%swap3A_29, %swap3A_30] : memref<1229x4xi32, #tpu.memory_space<vmem>>, vector<1x4xi32>
      tpu.vector_store %arg3[%swap3A_29, %swap3A_30], %reshape3A {strides = array<i32>} : memref<1229x4xi32, #tpu.memory_space<vmem>>, vector<1x4xi32>,
      %broadcast_in_dim3A_32 = vector.shape_cast %reduce_min3A_28 : vector<4xi32> to vector<4x1xi32>
      %eq3A_33 = vector.broadcast %broadcast_in_dim3A_32 : vector<4x1xi32> to vector<4x2048xi32>
      %eq3A_34 = arith.cmpi eq, %iota3A, %eq3A_33 : vector<4x2048xi32>
      %jit3A_35 = arith.constant 0.000000e+00 : f32
      %broadcast_in_dim3A_36 = vector.broadcast %jit3A_35 : f32 to vector<4x2048xf32>
      %select_n3A_37 = arith.select %eq3A_34, %get3A_1, %broadcast_in_dim3A_36 : vector<4x2048xi1>, vector<4x2048xf32>
      %reduce_sum3A = arith.constant dense<0.000000e+00> : vector<4xf32>
      %reduce_sum3A_38 = vector.multi_reduction <add>, %select_n3A_37, %reduce_sum3A [1] : vector<4x2048xf32> to vector<4xf32>
      %broadcast_in_dim3A_39 = vector.shape_cast %reduce_sum3A_38 : vector<4xf32> to vector<4x1xf32>
      %jit3A_40 = arith.constant 0.000000e+00 : f32
      %broadcast_in_dim3A_41 = vector.broadcast %jit3A_40 : f32 to vector<4x2048xf32>
      %select_n3A_42 = arith.select %eq3A_34, %get3A_4, %broadcast_in_dim3A_41 : vector<4x2048xi1>, vector<4x2048xf32>
      %reduce_sum3A_43 = arith.constant dense<0.000000e+00> : vector<4xf32>
      %reduce_sum3A_44 = vector.multi_reduction <add>, %select_n3A_42, %reduce_sum3A_43 [1] : vector<4x2048xf32> to vector<4xf32>
      %broadcast_in_dim3A_45 = vector.shape_cast %reduce_sum3A_44 : vector<4xf32> to vector<4x1xf32>
      scf.yield %min3A, %broadcast_in_dim3A_39, %broadcast_in_dim3A_45 : vector<4x2048xf32>, vector<4x1xf32>, vector<4x1xf32>
    }
    %scan3A_15 = arith.constant 1228 : i32
    return
  }
  func.func @transform_0(%arg0: i32) -> (i32, i32) {
    %c0_i32 = arith.constant 0 : i32
    %c0_i32_0 = arith.constant 0 : i32
    %c0_i32_1 = arith.constant 0 : i32
    return %c0_i32, %c0_i32_0 : i32, i32
  }
  func.func @transform_1(%arg0: i32) -> (i32, i32) {
    %c0_i32 = arith.constant 0 : i32
    %c0_i32_0 = arith.constant 0 : i32
    %c0_i32_1 = arith.constant 0 : i32
    return %c0_i32, %c0_i32_0 : i32, i32
  }
  func.func @transform_2(%arg0: i32) -> (i32, i32) {
    %c0_i32 = arith.constant 0 : i32
    %c0_i32_0 = arith.constant 0 : i32
    %c0_i32_1 = arith.constant 0 : i32
    return %c0_i32, %c0_i32_0 : i32, i32
  }
}

module attributes {stable_mosaic.version = 14 : i64} {
  func.func @_fps_kernel(%arg0: i32, %arg1: memref<4x2048xf32, #tpu.memory_space<vmem>>, %arg2: memref<4x2048xf32, #tpu.memory_space<vmem>>, %arg3: memref<1024x4xi32, #tpu.memory_space<vmem>>) attributes {dimension_semantics = [#tpu.dimension_semantics<arbitrary>], iteration_bounds = array<i64: 1>, scalar_prefetch = 0 : i64, scratch_operands = 0 : i64, tpu.core_type = #tpu.core_type<tc>, window_params = [{pipeline_mode = #tpu.pipeline_mode<synchronous>, transform_indices = @transform_0, window_bounds = array<i64: 4, 2048>}, {pipeline_mode = #tpu.pipeline_mode<synchronous>, transform_indices = @transform_1, window_bounds = array<i64: 4, 2048>}, {pipeline_mode = #tpu.pipeline_mode<synchronous>, transform_indices = @transform_2, window_bounds = array<i64: 1024, 4>}]} {
    %get3A = arith.constant 0 : index
    %get3A_0 = arith.constant 0 : index
    %get3A_1 = vector.load %arg1[%get3A, %get3A_0] : memref<4x2048xf32, #tpu.memory_space<vmem>>, vector<4x2048xf32>
    %get3A_2 = arith.constant 0 : index
    %get3A_3 = arith.constant 0 : index
    %get3A_4 = vector.load %arg2[%get3A_2, %get3A_3] : memref<4x2048xf32, #tpu.memory_space<vmem>>, vector<4x2048xf32>
    %iota3A = tpu.iota {dimensions = array<i32: 1>} : vector<4x2048xi32>
    %broadcast_in_dim3A = arith.constant 0 : i32
    %broadcast_in_dim3A_5 = vector.broadcast %broadcast_in_dim3A : i32 to vector<1x4xi32>
    %swap3A = arith.constant 0 : index
    %swap3A_6 = arith.constant 0 : index
    %swap3A_7 = vector.load %arg3[%swap3A, %swap3A_6] : memref<1024x4xi32, #tpu.memory_space<vmem>>, vector<1x4xi32>
    tpu.vector_store %arg3[%swap3A, %swap3A_6], %broadcast_in_dim3A_5 {strides = array<i32>} : memref<1024x4xi32, #tpu.memory_space<vmem>>, vector<1x4xi32>,
    %broadcast_in_dim3A_8 = arith.constant 0x7F800000 : f32
    %broadcast_in_dim3A_9 = vector.broadcast %broadcast_in_dim3A_8 : f32 to vector<4x2048xf32>
    %slice3A = vector.extract_strided_slice %get3A_1 {offsets = [0, 0], sizes = [4, 1], strides = [1, 1]} : vector<4x2048xf32> to vector<4x1xf32>
    %slice3A_10 = vector.extract_strided_slice %get3A_4 {offsets = [0, 0], sizes = [4, 1], strides = [1, 1]} : vector<4x2048xf32> to vector<4x1xf32>
    %scan3A = arith.constant 1 : i32
    %scan3A_11 = arith.constant 1023 : i32
    %scan3A_12 = arith.addi %scan3A, %scan3A_11 : i32
    %scan3A_13 = arith.constant 1 : i32
    %scan3A_14:3 = scf.for %scan3A_16 = %scan3A to %scan3A_12 step %scan3A_13 iter_args(%scan3A_17 = %broadcast_in_dim3A_9, %scan3A_18 = %slice3A, %scan3A_19 = %slice3A_10) -> (vector<4x2048xf32>, vector<4x1xf32>, vector<4x1xf32>)  : i32 {
      %sub3A = vector.broadcast %scan3A_18 : vector<4x1xf32> to vector<4x2048xf32>
      %sub3A_20 = arith.subf %get3A_1, %sub3A : vector<4x2048xf32>
      %integer_pow3A = arith.mulf %sub3A_20, %sub3A_20 : vector<4x2048xf32>
      %sub3A_21 = vector.broadcast %scan3A_19 : vector<4x1xf32> to vector<4x2048xf32>
      %sub3A_22 = arith.subf %get3A_4, %sub3A_21 : vector<4x2048xf32>
      %integer_pow3A_23 = arith.mulf %sub3A_22, %sub3A_22 : vector<4x2048xf32>
      %add3A = arith.addf %integer_pow3A, %integer_pow3A_23 : vector<4x2048xf32>
      %min3A = arith.minimumf %scan3A_17, %add3A : vector<4x2048xf32>
      %reduce_max3A = arith.constant dense<0xFF800000> : vector<4xf32>
      %reduce_max3A_24 = vector.multi_reduction <maximumf>, %min3A, %reduce_max3A [1] : vector<4x2048xf32> to vector<4xf32>
      %broadcast_in_dim3A_25 = vector.shape_cast %reduce_max3A_24 : vector<4xf32> to vector<4x1xf32>
      %eq3A = vector.broadcast %broadcast_in_dim3A_25 : vector<4x1xf32> to vector<4x2048xf32>
      %eq3A_26 = arith.cmpf oeq, %min3A, %eq3A : vector<4x2048xf32>
      %jit3A = arith.constant 2048 : i32
      %broadcast_in_dim3A_27 = vector.broadcast %jit3A : i32 to vector<4x2048xi32>
      %select_n3A = arith.select %eq3A_26, %iota3A, %broadcast_in_dim3A_27 : vector<4x2048xi1>, vector<4x2048xi32>
      %reduce_min3A = arith.constant dense<2147483647> : vector<4xi32>
      %reduce_min3A_28 = vector.multi_reduction <minsi>, %select_n3A, %reduce_min3A [1] : vector<4x2048xi32> to vector<4xi32>
      %reshape3A = vector.shape_cast %reduce_min3A_28 : vector<4xi32> to vector<1x4xi32>
      %swap3A_29 = arith.index_cast %scan3A_16 : i32 to index
      %swap3A_30 = arith.constant 0 : index
      %swap3A_31 = vector.load %arg3[%swap3A_29, %swap3A_30] : memref<1024x4xi32, #tpu.memory_space<vmem>>, vector<1x4xi32>
      tpu.vector_store %arg3[%swap3A_29, %swap3A_30], %reshape3A {strides = array<i32>} : memref<1024x4xi32, #tpu.memory_space<vmem>>, vector<1x4xi32>,
      %broadcast_in_dim3A_32 = vector.shape_cast %reduce_min3A_28 : vector<4xi32> to vector<4x1xi32>
      %eq3A_33 = vector.broadcast %broadcast_in_dim3A_32 : vector<4x1xi32> to vector<4x2048xi32>
      %eq3A_34 = arith.cmpi eq, %iota3A, %eq3A_33 : vector<4x2048xi32>
      %jit3A_35 = arith.constant 0.000000e+00 : f32
      %broadcast_in_dim3A_36 = vector.broadcast %jit3A_35 : f32 to vector<4x2048xf32>
      %select_n3A_37 = arith.select %eq3A_34, %get3A_1, %broadcast_in_dim3A_36 : vector<4x2048xi1>, vector<4x2048xf32>
      %reduce_sum3A = arith.constant dense<0.000000e+00> : vector<4xf32>
      %reduce_sum3A_38 = vector.multi_reduction <add>, %select_n3A_37, %reduce_sum3A [1] : vector<4x2048xf32> to vector<4xf32>
      %broadcast_in_dim3A_39 = vector.shape_cast %reduce_sum3A_38 : vector<4xf32> to vector<4x1xf32>
      %jit3A_40 = arith.constant 0.000000e+00 : f32
      %broadcast_in_dim3A_41 = vector.broadcast %jit3A_40 : f32 to vector<4x2048xf32>
      %select_n3A_42 = arith.select %eq3A_34, %get3A_4, %broadcast_in_dim3A_41 : vector<4x2048xi1>, vector<4x2048xf32>
      %reduce_sum3A_43 = arith.constant dense<0.000000e+00> : vector<4xf32>
      %reduce_sum3A_44 = vector.multi_reduction <add>, %select_n3A_42, %reduce_sum3A_43 [1] : vector<4x2048xf32> to vector<4xf32>
      %broadcast_in_dim3A_45 = vector.shape_cast %reduce_sum3A_44 : vector<4xf32> to vector<4x1xf32>
      scf.yield %min3A, %broadcast_in_dim3A_39, %broadcast_in_dim3A_45 : vector<4x2048xf32>, vector<4x1xf32>, vector<4x1xf32>
    }
    %scan3A_15 = arith.constant 1023 : i32
    return
  }
  func.func @transform_0(%arg0: i32) -> (i32, i32) {
    %c0_i32 = arith.constant 0 : i32
    %c0_i32_0 = arith.constant 0 : i32
    %c0_i32_1 = arith.constant 0 : i32
    return %c0_i32, %c0_i32_0 : i32, i32
  }
  func.func @transform_1(%arg0: i32) -> (i32, i32) {
    %c0_i32 = arith.constant 0 : i32
    %c0_i32_0 = arith.constant 0 : i32
    %c0_i32_1 = arith.constant 0 : i32
    return %c0_i32, %c0_i32_0 : i32, i32
  }
  func.func @transform_2(%arg0: i32) -> (i32, i32) {
    %c0_i32 = arith.constant 0 : i32
    %c0_i32_0 = arith.constant 0 : i32
    %c0_i32_1 = arith.constant 0 : i32
    return %c0_i32, %c0_i32_0 : i32, i32
  }
}

module attributes {stable_mosaic.version = 14 : i64} {
  func.func @_fps_kernel(%arg0: i32, %arg1: memref<4x1024xf32, #tpu.memory_space<vmem>>, %arg2: memref<4x1024xf32, #tpu.memory_space<vmem>>, %arg3: memref<256x4xi32, #tpu.memory_space<vmem>>) attributes {dimension_semantics = [#tpu.dimension_semantics<arbitrary>], iteration_bounds = array<i64: 1>, scalar_prefetch = 0 : i64, scratch_operands = 0 : i64, tpu.core_type = #tpu.core_type<tc>, window_params = [{pipeline_mode = #tpu.pipeline_mode<synchronous>, transform_indices = @transform_0, window_bounds = array<i64: 4, 1024>}, {pipeline_mode = #tpu.pipeline_mode<synchronous>, transform_indices = @transform_1, window_bounds = array<i64: 4, 1024>}, {pipeline_mode = #tpu.pipeline_mode<synchronous>, transform_indices = @transform_2, window_bounds = array<i64: 256, 4>}]} {
    %get3A = arith.constant 0 : index
    %get3A_0 = arith.constant 0 : index
    %get3A_1 = vector.load %arg1[%get3A, %get3A_0] : memref<4x1024xf32, #tpu.memory_space<vmem>>, vector<4x1024xf32>
    %get3A_2 = arith.constant 0 : index
    %get3A_3 = arith.constant 0 : index
    %get3A_4 = vector.load %arg2[%get3A_2, %get3A_3] : memref<4x1024xf32, #tpu.memory_space<vmem>>, vector<4x1024xf32>
    %iota3A = tpu.iota {dimensions = array<i32: 1>} : vector<4x1024xi32>
    %broadcast_in_dim3A = arith.constant 0 : i32
    %broadcast_in_dim3A_5 = vector.broadcast %broadcast_in_dim3A : i32 to vector<1x4xi32>
    %swap3A = arith.constant 0 : index
    %swap3A_6 = arith.constant 0 : index
    %swap3A_7 = vector.load %arg3[%swap3A, %swap3A_6] : memref<256x4xi32, #tpu.memory_space<vmem>>, vector<1x4xi32>
    tpu.vector_store %arg3[%swap3A, %swap3A_6], %broadcast_in_dim3A_5 {strides = array<i32>} : memref<256x4xi32, #tpu.memory_space<vmem>>, vector<1x4xi32>,
    %broadcast_in_dim3A_8 = arith.constant 0x7F800000 : f32
    %broadcast_in_dim3A_9 = vector.broadcast %broadcast_in_dim3A_8 : f32 to vector<4x1024xf32>
    %slice3A = vector.extract_strided_slice %get3A_1 {offsets = [0, 0], sizes = [4, 1], strides = [1, 1]} : vector<4x1024xf32> to vector<4x1xf32>
    %slice3A_10 = vector.extract_strided_slice %get3A_4 {offsets = [0, 0], sizes = [4, 1], strides = [1, 1]} : vector<4x1024xf32> to vector<4x1xf32>
    %scan3A = arith.constant 1 : i32
    %scan3A_11 = arith.constant 255 : i32
    %scan3A_12 = arith.addi %scan3A, %scan3A_11 : i32
    %scan3A_13 = arith.constant 1 : i32
    %scan3A_14:3 = scf.for %scan3A_16 = %scan3A to %scan3A_12 step %scan3A_13 iter_args(%scan3A_17 = %broadcast_in_dim3A_9, %scan3A_18 = %slice3A, %scan3A_19 = %slice3A_10) -> (vector<4x1024xf32>, vector<4x1xf32>, vector<4x1xf32>)  : i32 {
      %sub3A = vector.broadcast %scan3A_18 : vector<4x1xf32> to vector<4x1024xf32>
      %sub3A_20 = arith.subf %get3A_1, %sub3A : vector<4x1024xf32>
      %integer_pow3A = arith.mulf %sub3A_20, %sub3A_20 : vector<4x1024xf32>
      %sub3A_21 = vector.broadcast %scan3A_19 : vector<4x1xf32> to vector<4x1024xf32>
      %sub3A_22 = arith.subf %get3A_4, %sub3A_21 : vector<4x1024xf32>
      %integer_pow3A_23 = arith.mulf %sub3A_22, %sub3A_22 : vector<4x1024xf32>
      %add3A = arith.addf %integer_pow3A, %integer_pow3A_23 : vector<4x1024xf32>
      %min3A = arith.minimumf %scan3A_17, %add3A : vector<4x1024xf32>
      %reduce_max3A = arith.constant dense<0xFF800000> : vector<4xf32>
      %reduce_max3A_24 = vector.multi_reduction <maximumf>, %min3A, %reduce_max3A [1] : vector<4x1024xf32> to vector<4xf32>
      %broadcast_in_dim3A_25 = vector.shape_cast %reduce_max3A_24 : vector<4xf32> to vector<4x1xf32>
      %eq3A = vector.broadcast %broadcast_in_dim3A_25 : vector<4x1xf32> to vector<4x1024xf32>
      %eq3A_26 = arith.cmpf oeq, %min3A, %eq3A : vector<4x1024xf32>
      %jit3A = arith.constant 1024 : i32
      %broadcast_in_dim3A_27 = vector.broadcast %jit3A : i32 to vector<4x1024xi32>
      %select_n3A = arith.select %eq3A_26, %iota3A, %broadcast_in_dim3A_27 : vector<4x1024xi1>, vector<4x1024xi32>
      %reduce_min3A = arith.constant dense<2147483647> : vector<4xi32>
      %reduce_min3A_28 = vector.multi_reduction <minsi>, %select_n3A, %reduce_min3A [1] : vector<4x1024xi32> to vector<4xi32>
      %reshape3A = vector.shape_cast %reduce_min3A_28 : vector<4xi32> to vector<1x4xi32>
      %swap3A_29 = arith.index_cast %scan3A_16 : i32 to index
      %swap3A_30 = arith.constant 0 : index
      %swap3A_31 = vector.load %arg3[%swap3A_29, %swap3A_30] : memref<256x4xi32, #tpu.memory_space<vmem>>, vector<1x4xi32>
      tpu.vector_store %arg3[%swap3A_29, %swap3A_30], %reshape3A {strides = array<i32>} : memref<256x4xi32, #tpu.memory_space<vmem>>, vector<1x4xi32>,
      %broadcast_in_dim3A_32 = vector.shape_cast %reduce_min3A_28 : vector<4xi32> to vector<4x1xi32>
      %eq3A_33 = vector.broadcast %broadcast_in_dim3A_32 : vector<4x1xi32> to vector<4x1024xi32>
      %eq3A_34 = arith.cmpi eq, %iota3A, %eq3A_33 : vector<4x1024xi32>
      %jit3A_35 = arith.constant 0.000000e+00 : f32
      %broadcast_in_dim3A_36 = vector.broadcast %jit3A_35 : f32 to vector<4x1024xf32>
      %select_n3A_37 = arith.select %eq3A_34, %get3A_1, %broadcast_in_dim3A_36 : vector<4x1024xi1>, vector<4x1024xf32>
      %reduce_sum3A = arith.constant dense<0.000000e+00> : vector<4xf32>
      %reduce_sum3A_38 = vector.multi_reduction <add>, %select_n3A_37, %reduce_sum3A [1] : vector<4x1024xf32> to vector<4xf32>
      %broadcast_in_dim3A_39 = vector.shape_cast %reduce_sum3A_38 : vector<4xf32> to vector<4x1xf32>
      %jit3A_40 = arith.constant 0.000000e+00 : f32
      %broadcast_in_dim3A_41 = vector.broadcast %jit3A_40 : f32 to vector<4x1024xf32>
      %select_n3A_42 = arith.select %eq3A_34, %get3A_4, %broadcast_in_dim3A_41 : vector<4x1024xi1>, vector<4x1024xf32>
      %reduce_sum3A_43 = arith.constant dense<0.000000e+00> : vector<4xf32>
      %reduce_sum3A_44 = vector.multi_reduction <add>, %select_n3A_42, %reduce_sum3A_43 [1] : vector<4x1024xf32> to vector<4xf32>
      %broadcast_in_dim3A_45 = vector.shape_cast %reduce_sum3A_44 : vector<4xf32> to vector<4x1xf32>
      scf.yield %min3A, %broadcast_in_dim3A_39, %broadcast_in_dim3A_45 : vector<4x1024xf32>, vector<4x1xf32>, vector<4x1xf32>
    }
    %scan3A_15 = arith.constant 255 : i32
    return
  }
  func.func @transform_0(%arg0: i32) -> (i32, i32) {
    %c0_i32 = arith.constant 0 : i32
    %c0_i32_0 = arith.constant 0 : i32
    %c0_i32_1 = arith.constant 0 : i32
    return %c0_i32, %c0_i32_0 : i32, i32
  }
  func.func @transform_1(%arg0: i32) -> (i32, i32) {
    %c0_i32 = arith.constant 0 : i32
    %c0_i32_0 = arith.constant 0 : i32
    %c0_i32_1 = arith.constant 0 : i32
    return %c0_i32, %c0_i32_0 : i32, i32
  }
  func.func @transform_2(%arg0: i32) -> (i32, i32) {
    %c0_i32 = arith.constant 0 : i32
    %c0_i32_0 = arith.constant 0 : i32
    %c0_i32_1 = arith.constant 0 : i32
    return %c0_i32, %c0_i32_0 : i32, i32
  }
}

module attributes {stable_mosaic.version = 14 : i64} {
  func.func @_msg_kernel(%arg0: i32, %arg1: memref<64x64x9xf32, #tpu.memory_space<vmem>>, %arg2: memref<64x64xf32, #tpu.memory_space<vmem>>, %arg3: memref<9x64xf32, #tpu.memory_space<vmem>>, %arg4: memref<1x64xf32, #tpu.memory_space<vmem>>, %arg5: memref<64x64xf32, #tpu.memory_space<vmem>>) attributes {dimension_semantics = [#tpu.dimension_semantics<arbitrary>], iteration_bounds = array<i64: 64>, scalar_prefetch = 0 : i64, scratch_operands = 0 : i64, tpu.core_type = #tpu.core_type<tc>, window_params = [{transform_indices = @transform_0, window_bounds = array<i64: 64, 64, 9>}, {transform_indices = @transform_1, window_bounds = array<i64: 64, 64>}, {pipeline_mode = #tpu.pipeline_mode<synchronous>, transform_indices = @transform_2, window_bounds = array<i64: 9, 64>}, {pipeline_mode = #tpu.pipeline_mode<synchronous>, transform_indices = @transform_3, window_bounds = array<i64: 1, 64>}, {transform_indices = @transform_4, window_bounds = array<i64: 64, 64>}]} {
    %get3A = arith.constant 0 : index
    %get3A_0 = arith.constant 0 : index
    %get3A_1 = arith.constant 0 : index
    %get3A_2 = vector.load %arg1[%get3A, %get3A_0, %get3A_1] : memref<64x64x9xf32, #tpu.memory_space<vmem>>, vector<64x64x9xf32>
    %reshape3A = vector.shape_cast %get3A_2 : vector<64x64x9xf32> to vector<4096x9xf32>
    %get3A_3 = arith.constant 0 : index
    %get3A_4 = arith.constant 0 : index
    %get3A_5 = vector.load %arg3[%get3A_3, %get3A_4] : memref<9x64xf32, #tpu.memory_space<vmem>>, vector<9x64xf32>
    %dot_general3A = arith.constant dense<0.000000e+00> : vector<4096x64xf32>
    %dot_general3A_6 = tpu.matmul %reshape3A, %get3A_5, %dot_general3A {dimension_numbers = #tpu.dot_dimension_numbers<[1], [0], [0], [1], [0, 0, 1, 1], [], []>, transpose_lhs_hint = false} : vector<4096x9xf32>, vector<9x64xf32>, vector<4096x64xf32> -> vector<4096x64xf32>
    %get3A_7 = arith.constant 0 : index
    %get3A_8 = arith.constant 0 : index
    %get3A_9 = vector.load %arg4[%get3A_7, %get3A_8] : memref<1x64xf32, #tpu.memory_space<vmem>>, vector<1x64xf32>
    %add3A = vector.broadcast %get3A_9 : vector<1x64xf32> to vector<4096x64xf32>
    %add3A_10 = arith.addf %dot_general3A_6, %add3A : vector<4096x64xf32>
    %reshape3A_11 = vector.shape_cast %add3A_10 : vector<4096x64xf32> to vector<64x64x64xf32>
    %get3A_12 = arith.constant 0 : index
    %get3A_13 = arith.constant 0 : index
    %get3A_14 = vector.load %arg2[%get3A_12, %get3A_13] : memref<64x64xf32, #tpu.memory_space<vmem>>, vector<64x64xf32>
    %broadcast_in_dim3A = vector.shape_cast %get3A_14 : vector<64x64xf32> to vector<64x64x1xf32>
    %gt3A = arith.constant 0.000000e+00 : f32
    %gt3A_15 = vector.broadcast %gt3A : f32 to vector<64x64x1xf32>
    %gt3A_16 = arith.cmpf ogt, %broadcast_in_dim3A, %gt3A_15 : vector<64x64x1xf32>
    %jit3A = arith.constant 0xFF800000 : f32
    %broadcast_in_dim3A_17 = vector.shape_cast %gt3A_16 : vector<64x64x1xi1> to vector<64x64x1xi1>
    %broadcast_in_dim3A_18 = vector.broadcast %broadcast_in_dim3A_17 : vector<64x64x1xi1> to vector<64x64x64xi1>
    %broadcast_in_dim3A_19 = vector.broadcast %jit3A : f32 to vector<64x64x64xf32>
    %select_n3A = arith.select %broadcast_in_dim3A_18, %reshape3A_11, %broadcast_in_dim3A_19 : vector<64x64x64xi1>, vector<64x64x64xf32>
    %reduce_max3A = arith.constant dense<0xFF800000> : vector<64x64xf32>
    %reduce_max3A_20 = vector.multi_reduction <maximumf>, %select_n3A, %reduce_max3A [1] : vector<64x64x64xf32> to vector<64x64xf32>
    %swap3A = arith.constant 0 : index
    %swap3A_21 = arith.constant 0 : index
    %swap3A_22 = vector.load %arg5[%swap3A, %swap3A_21] : memref<64x64xf32, #tpu.memory_space<vmem>>, vector<64x64xf32>
    tpu.vector_store %arg5[%swap3A, %swap3A_21], %reduce_max3A_20 {strides = array<i32>} : memref<64x64xf32, #tpu.memory_space<vmem>>, vector<64x64xf32>,
    return
  }
  func.func @transform_0(%arg0: i32) -> (i32, i32, i32) {
    %c0_i32 = arith.constant 0 : i32
    %c0_i32_0 = arith.constant 0 : i32
    %c0_i32_1 = arith.constant 0 : i32
    return %arg0, %c0_i32, %c0_i32_0 : i32, i32, i32
  }
  func.func @transform_1(%arg0: i32) -> (i32, i32) {
    %c0_i32 = arith.constant 0 : i32
    %c0_i32_0 = arith.constant 0 : i32
    return %arg0, %c0_i32 : i32, i32
  }
  func.func @transform_2(%arg0: i32) -> (i32, i32) {
    %c0_i32 = arith.constant 0 : i32
    %c0_i32_0 = arith.constant 0 : i32
    %c0_i32_1 = arith.constant 0 : i32
    return %c0_i32, %c0_i32_0 : i32, i32
  }
  func.func @transform_3(%arg0: i32) -> (i32, i32) {
    %c0_i32 = arith.constant 0 : i32
    %c0_i32_0 = arith.constant 0 : i32
    %c0_i32_1 = arith.constant 0 : i32
    return %c0_i32, %c0_i32_0 : i32, i32
  }
  func.func @transform_4(%arg0: i32) -> (i32, i32) {
    %c0_i32 = arith.constant 0 : i32
    %c0_i32_0 = arith.constant 0 : i32
    return %arg0, %c0_i32 : i32, i32
  }
}

module attributes {stable_mosaic.version = 14 : i64} {
  func.func @_msg_kernel(%arg0: i32, %arg1: memref<64x64x66xf32, #tpu.memory_space<vmem>>, %arg2: memref<64x64xf32, #tpu.memory_space<vmem>>, %arg3: memref<66x128xf32, #tpu.memory_space<vmem>>, %arg4: memref<1x128xf32, #tpu.memory_space<vmem>>, %arg5: memref<64x128xf32, #tpu.memory_space<vmem>>) attributes {dimension_semantics = [#tpu.dimension_semantics<arbitrary>], iteration_bounds = array<i64: 16>, scalar_prefetch = 0 : i64, scratch_operands = 0 : i64, tpu.core_type = #tpu.core_type<tc>, window_params = [{transform_indices = @transform_0, window_bounds = array<i64: 64, 64, 66>}, {transform_indices = @transform_1, window_bounds = array<i64: 64, 64>}, {pipeline_mode = #tpu.pipeline_mode<synchronous>, transform_indices = @transform_2, window_bounds = array<i64: 66, 128>}, {pipeline_mode = #tpu.pipeline_mode<synchronous>, transform_indices = @transform_3, window_bounds = array<i64: 1, 128>}, {transform_indices = @transform_4, window_bounds = array<i64: 64, 128>}]} {
    %get3A = arith.constant 0 : index
    %get3A_0 = arith.constant 0 : index
    %get3A_1 = arith.constant 0 : index
    %get3A_2 = vector.load %arg1[%get3A, %get3A_0, %get3A_1] : memref<64x64x66xf32, #tpu.memory_space<vmem>>, vector<64x64x66xf32>
    %reshape3A = vector.shape_cast %get3A_2 : vector<64x64x66xf32> to vector<4096x66xf32>
    %get3A_3 = arith.constant 0 : index
    %get3A_4 = arith.constant 0 : index
    %get3A_5 = vector.load %arg3[%get3A_3, %get3A_4] : memref<66x128xf32, #tpu.memory_space<vmem>>, vector<66x128xf32>
    %dot_general3A = arith.constant dense<0.000000e+00> : vector<4096x128xf32>
    %dot_general3A_6 = tpu.matmul %reshape3A, %get3A_5, %dot_general3A {dimension_numbers = #tpu.dot_dimension_numbers<[1], [0], [0], [1], [0, 0, 1, 1], [], []>, transpose_lhs_hint = false} : vector<4096x66xf32>, vector<66x128xf32>, vector<4096x128xf32> -> vector<4096x128xf32>
    %get3A_7 = arith.constant 0 : index
    %get3A_8 = arith.constant 0 : index
    %get3A_9 = vector.load %arg4[%get3A_7, %get3A_8] : memref<1x128xf32, #tpu.memory_space<vmem>>, vector<1x128xf32>
    %add3A = vector.broadcast %get3A_9 : vector<1x128xf32> to vector<4096x128xf32>
    %add3A_10 = arith.addf %dot_general3A_6, %add3A : vector<4096x128xf32>
    %reshape3A_11 = vector.shape_cast %add3A_10 : vector<4096x128xf32> to vector<64x64x128xf32>
    %get3A_12 = arith.constant 0 : index
    %get3A_13 = arith.constant 0 : index
    %get3A_14 = vector.load %arg2[%get3A_12, %get3A_13] : memref<64x64xf32, #tpu.memory_space<vmem>>, vector<64x64xf32>
    %broadcast_in_dim3A = vector.shape_cast %get3A_14 : vector<64x64xf32> to vector<64x64x1xf32>
    %gt3A = arith.constant 0.000000e+00 : f32
    %gt3A_15 = vector.broadcast %gt3A : f32 to vector<64x64x1xf32>
    %gt3A_16 = arith.cmpf ogt, %broadcast_in_dim3A, %gt3A_15 : vector<64x64x1xf32>
    %jit3A = arith.constant 0xFF800000 : f32
    %broadcast_in_dim3A_17 = vector.shape_cast %gt3A_16 : vector<64x64x1xi1> to vector<64x64x1xi1>
    %broadcast_in_dim3A_18 = vector.broadcast %broadcast_in_dim3A_17 : vector<64x64x1xi1> to vector<64x64x128xi1>
    %broadcast_in_dim3A_19 = vector.broadcast %jit3A : f32 to vector<64x64x128xf32>
    %select_n3A = arith.select %broadcast_in_dim3A_18, %reshape3A_11, %broadcast_in_dim3A_19 : vector<64x64x128xi1>, vector<64x64x128xf32>
    %reduce_max3A = arith.constant dense<0xFF800000> : vector<64x128xf32>
    %reduce_max3A_20 = vector.multi_reduction <maximumf>, %select_n3A, %reduce_max3A [1] : vector<64x64x128xf32> to vector<64x128xf32>
    %swap3A = arith.constant 0 : index
    %swap3A_21 = arith.constant 0 : index
    %swap3A_22 = vector.load %arg5[%swap3A, %swap3A_21] : memref<64x128xf32, #tpu.memory_space<vmem>>, vector<64x128xf32>
    tpu.vector_store %arg5[%swap3A, %swap3A_21], %reduce_max3A_20 {strides = array<i32>} : memref<64x128xf32, #tpu.memory_space<vmem>>, vector<64x128xf32>,
    return
  }
  func.func @transform_0(%arg0: i32) -> (i32, i32, i32) {
    %c0_i32 = arith.constant 0 : i32
    %c0_i32_0 = arith.constant 0 : i32
    %c0_i32_1 = arith.constant 0 : i32
    return %arg0, %c0_i32, %c0_i32_0 : i32, i32, i32
  }
  func.func @transform_1(%arg0: i32) -> (i32, i32) {
    %c0_i32 = arith.constant 0 : i32
    %c0_i32_0 = arith.constant 0 : i32
    return %arg0, %c0_i32 : i32, i32
  }
  func.func @transform_2(%arg0: i32) -> (i32, i32) {
    %c0_i32 = arith.constant 0 : i32
    %c0_i32_0 = arith.constant 0 : i32
    %c0_i32_1 = arith.constant 0 : i32
    return %c0_i32, %c0_i32_0 : i32, i32
  }
  func.func @transform_3(%arg0: i32) -> (i32, i32) {
    %c0_i32 = arith.constant 0 : i32
    %c0_i32_0 = arith.constant 0 : i32
    %c0_i32_1 = arith.constant 0 : i32
    return %c0_i32, %c0_i32_0 : i32, i32
  }
  func.func @transform_4(%arg0: i32) -> (i32, i32) {
    %c0_i32 = arith.constant 0 : i32
    %c0_i32_0 = arith.constant 0 : i32
    return %arg0, %c0_i32 : i32, i32
  }
}

module attributes {stable_mosaic.version = 14 : i64} {
  func.func @_gmax_kernel(%arg0: i32, %arg1: memref<1x256x130xf32, #tpu.memory_space<vmem>>, %arg2: memref<130x1024xf32, #tpu.memory_space<vmem>>, %arg3: memref<1x1024xf32, #tpu.memory_space<vmem>>, %arg4: memref<1x1x1024xf32, #tpu.memory_space<vmem>>) attributes {dimension_semantics = [#tpu.dimension_semantics<arbitrary>], iteration_bounds = array<i64: 4>, scalar_prefetch = 0 : i64, scratch_operands = 0 : i64, tpu.core_type = #tpu.core_type<tc>, window_params = [{transform_indices = @transform_0, window_bounds = array<i64: 1, 256, 130>}, {pipeline_mode = #tpu.pipeline_mode<synchronous>, transform_indices = @transform_1, window_bounds = array<i64: 130, 1024>}, {pipeline_mode = #tpu.pipeline_mode<synchronous>, transform_indices = @transform_2, window_bounds = array<i64: 1, 1024>}, {transform_indices = @transform_3, window_bounds = array<i64: 1, 1, 1024>}]} {
    %get3A = arith.constant 0 : index
    %get3A_0 = arith.constant 0 : index
    %get3A_1 = arith.constant 0 : index
    %get3A_2 = vector.load %arg1[%get3A, %get3A_0, %get3A_1] : memref<1x256x130xf32, #tpu.memory_space<vmem>>, vector<1x256x130xf32>
    %get3A_3 = vector.shape_cast %get3A_2 : vector<1x256x130xf32> to vector<256x130xf32>
    %get3A_4 = arith.constant 0 : index
    %get3A_5 = arith.constant 0 : index
    %get3A_6 = vector.load %arg2[%get3A_4, %get3A_5] : memref<130x1024xf32, #tpu.memory_space<vmem>>, vector<130x1024xf32>
    %dot_general3A = arith.constant dense<0.000000e+00> : vector<256x1024xf32>
    %dot_general3A_7 = tpu.matmul %get3A_3, %get3A_6, %dot_general3A {dimension_numbers = #tpu.dot_dimension_numbers<[1], [0], [0], [1], [0, 0, 1, 1], [], []>, transpose_lhs_hint = false} : vector<256x130xf32>, vector<130x1024xf32>, vector<256x1024xf32> -> vector<256x1024xf32>
    %get3A_8 = arith.constant 0 : index
    %get3A_9 = arith.constant 0 : index
    %get3A_10 = vector.load %arg3[%get3A_8, %get3A_9] : memref<1x1024xf32, #tpu.memory_space<vmem>>, vector<1x1024xf32>
    %add3A = vector.broadcast %get3A_10 : vector<1x1024xf32> to vector<256x1024xf32>
    %add3A_11 = arith.addf %dot_general3A_7, %add3A : vector<256x1024xf32>
    %reduce_max3A = arith.constant dense<0xFF800000> : vector<1024xf32>
    %reduce_max3A_12 = vector.multi_reduction <maximumf>, %add3A_11, %reduce_max3A [0] : vector<256x1024xf32> to vector<1024xf32>
    %reshape3A = vector.shape_cast %reduce_max3A_12 : vector<1024xf32> to vector<1x1x1024xf32>
    %swap3A = arith.constant 0 : index
    %swap3A_13 = arith.constant 0 : index
    %swap3A_14 = arith.constant 0 : index
    %swap3A_15 = vector.load %arg4[%swap3A, %swap3A_13, %swap3A_14] : memref<1x1x1024xf32, #tpu.memory_space<vmem>>, vector<1x1x1024xf32>
    tpu.vector_store %arg4[%swap3A, %swap3A_13, %swap3A_14], %reshape3A {strides = array<i32>} : memref<1x1x1024xf32, #tpu.memory_space<vmem>>, vector<1x1x1024xf32>,
    return
  }
  func.func @transform_0(%arg0: i32) -> (i32, i32, i32) {
    %c0_i32 = arith.constant 0 : i32
    %c0_i32_0 = arith.constant 0 : i32
    %c0_i32_1 = arith.constant 0 : i32
    return %arg0, %c0_i32, %c0_i32_0 : i32, i32, i32
  }
  func.func @transform_1(%arg0: i32) -> (i32, i32) {
    %c0_i32 = arith.constant 0 : i32
    %c0_i32_0 = arith.constant 0 : i32
    %c0_i32_1 = arith.constant 0 : i32
    return %c0_i32, %c0_i32_0 : i32, i32
  }
  func.func @transform_2(%arg0: i32) -> (i32, i32) {
    %c0_i32 = arith.constant 0 : i32
    %c0_i32_0 = arith.constant 0 : i32
    %c0_i32_1 = arith.constant 0 : i32
    return %c0_i32, %c0_i32_0 : i32, i32
  }
  func.func @transform_3(%arg0: i32) -> (i32, i32, i32) {
    %c0_i32 = arith.constant 0 : i32
    %c0_i32_0 = arith.constant 0 : i32
    %c0_i32_1 = arith.constant 0 : i32
    return %arg0, %c0_i32, %c0_i32_0 : i32, i32, i32
  }
}

module attributes {stable_mosaic.version = 14 : i64} {
  func.func @_msg_kernel(%arg0: i32, %arg1: memref<64x64x9xf32, #tpu.memory_space<vmem>>, %arg2: memref<64x64xf32, #tpu.memory_space<vmem>>, %arg3: memref<9x64xf32, #tpu.memory_space<vmem>>, %arg4: memref<1x64xf32, #tpu.memory_space<vmem>>, %arg5: memref<64x64xf32, #tpu.memory_space<vmem>>) attributes {dimension_semantics = [#tpu.dimension_semantics<arbitrary>], iteration_bounds = array<i64: 77>, scalar_prefetch = 0 : i64, scratch_operands = 0 : i64, tpu.core_type = #tpu.core_type<tc>, window_params = [{transform_indices = @transform_0, window_bounds = array<i64: 64, 64, 9>}, {transform_indices = @transform_1, window_bounds = array<i64: 64, 64>}, {pipeline_mode = #tpu.pipeline_mode<synchronous>, transform_indices = @transform_2, window_bounds = array<i64: 9, 64>}, {pipeline_mode = #tpu.pipeline_mode<synchronous>, transform_indices = @transform_3, window_bounds = array<i64: 1, 64>}, {transform_indices = @transform_4, window_bounds = array<i64: 64, 64>}]} {
    %get3A = arith.constant 0 : index
    %get3A_0 = arith.constant 0 : index
    %get3A_1 = arith.constant 0 : index
    %get3A_2 = vector.load %arg1[%get3A, %get3A_0, %get3A_1] : memref<64x64x9xf32, #tpu.memory_space<vmem>>, vector<64x64x9xf32>
    %reshape3A = vector.shape_cast %get3A_2 : vector<64x64x9xf32> to vector<4096x9xf32>
    %get3A_3 = arith.constant 0 : index
    %get3A_4 = arith.constant 0 : index
    %get3A_5 = vector.load %arg3[%get3A_3, %get3A_4] : memref<9x64xf32, #tpu.memory_space<vmem>>, vector<9x64xf32>
    %dot_general3A = arith.constant dense<0.000000e+00> : vector<4096x64xf32>
    %dot_general3A_6 = tpu.matmul %reshape3A, %get3A_5, %dot_general3A {dimension_numbers = #tpu.dot_dimension_numbers<[1], [0], [0], [1], [0, 0, 1, 1], [], []>, transpose_lhs_hint = false} : vector<4096x9xf32>, vector<9x64xf32>, vector<4096x64xf32> -> vector<4096x64xf32>
    %get3A_7 = arith.constant 0 : index
    %get3A_8 = arith.constant 0 : index
    %get3A_9 = vector.load %arg4[%get3A_7, %get3A_8] : memref<1x64xf32, #tpu.memory_space<vmem>>, vector<1x64xf32>
    %add3A = vector.broadcast %get3A_9 : vector<1x64xf32> to vector<4096x64xf32>
    %add3A_10 = arith.addf %dot_general3A_6, %add3A : vector<4096x64xf32>
    %reshape3A_11 = vector.shape_cast %add3A_10 : vector<4096x64xf32> to vector<64x64x64xf32>
    %get3A_12 = arith.constant 0 : index
    %get3A_13 = arith.constant 0 : index
    %get3A_14 = vector.load %arg2[%get3A_12, %get3A_13] : memref<64x64xf32, #tpu.memory_space<vmem>>, vector<64x64xf32>
    %broadcast_in_dim3A = vector.shape_cast %get3A_14 : vector<64x64xf32> to vector<64x64x1xf32>
    %gt3A = arith.constant 0.000000e+00 : f32
    %gt3A_15 = vector.broadcast %gt3A : f32 to vector<64x64x1xf32>
    %gt3A_16 = arith.cmpf ogt, %broadcast_in_dim3A, %gt3A_15 : vector<64x64x1xf32>
    %jit3A = arith.constant 0xFF800000 : f32
    %broadcast_in_dim3A_17 = vector.shape_cast %gt3A_16 : vector<64x64x1xi1> to vector<64x64x1xi1>
    %broadcast_in_dim3A_18 = vector.broadcast %broadcast_in_dim3A_17 : vector<64x64x1xi1> to vector<64x64x64xi1>
    %broadcast_in_dim3A_19 = vector.broadcast %jit3A : f32 to vector<64x64x64xf32>
    %select_n3A = arith.select %broadcast_in_dim3A_18, %reshape3A_11, %broadcast_in_dim3A_19 : vector<64x64x64xi1>, vector<64x64x64xf32>
    %reduce_max3A = arith.constant dense<0xFF800000> : vector<64x64xf32>
    %reduce_max3A_20 = vector.multi_reduction <maximumf>, %select_n3A, %reduce_max3A [1] : vector<64x64x64xf32> to vector<64x64xf32>
    %swap3A = arith.constant 0 : index
    %swap3A_21 = arith.constant 0 : index
    %swap3A_22 = vector.load %arg5[%swap3A, %swap3A_21] : memref<64x64xf32, #tpu.memory_space<vmem>>, vector<64x64xf32>
    tpu.vector_store %arg5[%swap3A, %swap3A_21], %reduce_max3A_20 {strides = array<i32>} : memref<64x64xf32, #tpu.memory_space<vmem>>, vector<64x64xf32>,
    return
  }
  func.func @transform_0(%arg0: i32) -> (i32, i32, i32) {
    %c0_i32 = arith.constant 0 : i32
    %c0_i32_0 = arith.constant 0 : i32
    %c0_i32_1 = arith.constant 0 : i32
    return %arg0, %c0_i32, %c0_i32_0 : i32, i32, i32
  }
  func.func @transform_1(%arg0: i32) -> (i32, i32) {
    %c0_i32 = arith.constant 0 : i32
    %c0_i32_0 = arith.constant 0 : i32
    return %arg0, %c0_i32 : i32, i32
  }
  func.func @transform_2(%arg0: i32) -> (i32, i32) {
    %c0_i32 = arith.constant 0 : i32
    %c0_i32_0 = arith.constant 0 : i32
    %c0_i32_1 = arith.constant 0 : i32
    return %c0_i32, %c0_i32_0 : i32, i32
  }
  func.func @transform_3(%arg0: i32) -> (i32, i32) {
    %c0_i32 = arith.constant 0 : i32
    %c0_i32_0 = arith.constant 0 : i32
    %c0_i32_1 = arith.constant 0 : i32
    return %c0_i32, %c0_i32_0 : i32, i32
  }
  func.func @transform_4(%arg0: i32) -> (i32, i32) {
    %c0_i32 = arith.constant 0 : i32
    %c0_i32_0 = arith.constant 0 : i32
    return %arg0, %c0_i32 : i32, i32
  }
}

module attributes {stable_mosaic.version = 14 : i64} {
  func.func @_linear_kernel(%arg0: i32, %arg1: memref<512x71xf32, #tpu.memory_space<vmem>>, %arg2: memref<71x64xf32, #tpu.memory_space<vmem>>, %arg3: memref<1x64xf32, #tpu.memory_space<vmem>>, %arg4: memref<512x64xf32, #tpu.memory_space<vmem>>) attributes {dimension_semantics = [#tpu.dimension_semantics<arbitrary>], iteration_bounds = array<i64: 16>, scalar_prefetch = 0 : i64, scratch_operands = 0 : i64, tpu.core_type = #tpu.core_type<tc>, window_params = [{transform_indices = @transform_0, window_bounds = array<i64: 512, 71>}, {pipeline_mode = #tpu.pipeline_mode<synchronous>, transform_indices = @transform_1, window_bounds = array<i64: 71, 64>}, {pipeline_mode = #tpu.pipeline_mode<synchronous>, transform_indices = @transform_2, window_bounds = array<i64: 1, 64>}, {transform_indices = @transform_3, window_bounds = array<i64: 512, 64>}]} {
    %get3A = arith.constant 0 : index
    %get3A_0 = arith.constant 0 : index
    %get3A_1 = vector.load %arg1[%get3A, %get3A_0] : memref<512x71xf32, #tpu.memory_space<vmem>>, vector<512x71xf32>
    %get3A_2 = arith.constant 0 : index
    %get3A_3 = arith.constant 0 : index
    %get3A_4 = vector.load %arg2[%get3A_2, %get3A_3] : memref<71x64xf32, #tpu.memory_space<vmem>>, vector<71x64xf32>
    %dot_general3A = arith.constant dense<0.000000e+00> : vector<512x64xf32>
    %dot_general3A_5 = tpu.matmul %get3A_1, %get3A_4, %dot_general3A {dimension_numbers = #tpu.dot_dimension_numbers<[1], [0], [0], [1], [0, 0, 1, 1], [], []>, transpose_lhs_hint = false} : vector<512x71xf32>, vector<71x64xf32>, vector<512x64xf32> -> vector<512x64xf32>
    %get3A_6 = arith.constant 0 : index
    %get3A_7 = arith.constant 0 : index
    %get3A_8 = vector.load %arg3[%get3A_6, %get3A_7] : memref<1x64xf32, #tpu.memory_space<vmem>>, vector<1x64xf32>
    %add3A = vector.broadcast %get3A_8 : vector<1x64xf32> to vector<512x64xf32>
    %add3A_9 = arith.addf %dot_general3A_5, %add3A : vector<512x64xf32>
    %swap3A = arith.constant 0 : index
    %swap3A_10 = arith.constant 0 : index
    %swap3A_11 = vector.load %arg4[%swap3A, %swap3A_10] : memref<512x64xf32, #tpu.memory_space<vmem>>, vector<512x64xf32>
    tpu.vector_store %arg4[%swap3A, %swap3A_10], %add3A_9 {strides = array<i32>} : memref<512x64xf32, #tpu.memory_space<vmem>>, vector<512x64xf32>,
    return
  }
  func.func @transform_0(%arg0: i32) -> (i32, i32) {
    %c0_i32 = arith.constant 0 : i32
    %c0_i32_0 = arith.constant 0 : i32
    return %arg0, %c0_i32 : i32, i32
  }
  func.func @transform_1(%arg0: i32) -> (i32, i32) {
    %c0_i32 = arith.constant 0 : i32
    %c0_i32_0 = arith.constant 0 : i32
    %c0_i32_1 = arith.constant 0 : i32
    return %c0_i32, %c0_i32_0 : i32, i32
  }
  func.func @transform_2(%arg0: i32) -> (i32, i32) {
    %c0_i32 = arith.constant 0 : i32
    %c0_i32_0 = arith.constant 0 : i32
    %c0_i32_1 = arith.constant 0 : i32
    return %c0_i32, %c0_i32_0 : i32, i32
  }
  func.func @transform_3(%arg0: i32) -> (i32, i32) {
    %c0_i32 = arith.constant 0 : i32
    %c0_i32_0 = arith.constant 0 : i32
    return %arg0, %c0_i32 : i32, i32
  }
}

</mosaic_0001>

<sc_bundles>
// kernel: gather_offload_async_start
scs
__scs_entry_jumppad:
0x0: {  	(pc) =	sbr.rel $0x88, $3  }
0x1: {  	(tag) =	ssettag $0x0;
	lr =	simm.s32 $0x1  }
0x2: {  	[smem:$0x3F94] =	sst lr;
	_ =	strace $0xD0000000  }
0x3: {  	_ = 	snop  }
0x4: {  	_ = 	snop  }
0x5: {  	_ = 	snop  }
0x6: {  	_ = 	snop  }
0x7: {  	_ = 	snop  }
__scs_overlays_trampoline_lowered:
0x8: {  	[smem:$0x3FA3] =	sst s0  }
0x9: {  	[smem:$0x3FA4] =	sst s1  }
0xa: {  	[smem:$0x3FA5] =	sst s2  }
0xb: {  	[smem:$0x3FA6] =	sst s3  }
0xc: {  	[smem:$0x3FA7] =	sst s4  }
0xd: {  	[smem:$0x3FA8] =	sst s5  }
0xe: {  	[smem:$0x3FA9] =	sst s6  }
0xf: {  	[smem:$0x3FAA] =	sst s7  }
0x10: {  	[smem:$0x3FAB] =	sst s8  }
0x11: {  	[smem:$0x3FAC] =	sst s9;
	s0 =	simm.s32 @!p0 $0x0  }
0x12: {  	s1 =	sld [smem:$0x3F92];
	s0 =	simm.s32 @p0 $0x1  }
0x13: {  	[smem:$0x3FAD] =	sst s0;
	s0 =	simm.s32 @!p1 $0x0  }
0x14: {  	s2 =	sld [smem:$0x3F91];
	s0 =	simm.s32 @p1 $0x1  }
0x15: {  	[smem:$0x3FAE] =	sst s0;
	s0 =	simm.s32 @!p2 $0x0  }
0x16: {  	s3 =	sld [smem:$0x3FDB];
	s0 =	simm.s32 @p2 $0x1  }
0x17: {  	s4 =	simm.s32 $0x1BF5;
	[smem:$0x3FB0] =	sst s0  }
0x18: {  	s0 =	sld [smem:$0x3F93];
	_ =	swait.ge [sflag:s4], $0x0  }
0x19: {  	s7 =	sld [smem:$0x3F94]  }
0x1a: {  	s8 =	sadd.s32 $0xFFFFE003, lr  }
0x1b: {  	s9 =	sadd.s32 $0xFFFFFEF7, lr;
	s5 =	simm.s32 $0xFFFFFFFF;
	p2 =	slt.u32 s8, $0xFFFFF086  }
0x1c: {  	p1 =	slt.u32 s9, $0xF7A;
	s5 =	simm.s32 @!p2 $0x0  }
0x1d: {  	s5 =	simm.s32 @p1 $0x1;
	p0 =	seq.s32 s7, s2  }
0x1e: {  	s7 =	smul.u32 @!p0 $0xF7A, s2;
	p2 =	seq.s32 @!p0 s5, $0x0  }
0x1f: {  	s9 =	smul.u32 $0xF7A, s1;
	s8 =	simm.s32 @!p0 $0x1BF5;
	p2 =	por !p2, p0  }
0x20: {  	[sflag:s8] =	ssyncset.s32 @!p0 $0xFFFFF086;
	s6 =	sadd.s32 @!p0 s3, s7;
	s7 =	simm.s32 @!p0 $0x108  }
0x21: {  	s3 =	sadd.s32 s3, s9;
	s6 =	sadd.s32 @!p0 $0x88, s6;
	s7 =	simm.s32 @p2 $0x1082  }
0x22: {  	[simem:s7], [sflag:s8] =	dma.local @!p0 [hbm:s6], $0xF7A  }
0x23: {  	s9 =	sor.u32 $0xD0000000, s2;
	s6 =	simm.s32 $0x108;
	_ =	swait.ge @!p0 [sflag:s8], $0x0  }
0x24: {  	s3 =	sadd.s32 $0x88, s3;
	s6 =	simm.s32 @!p1 $0x1082;
	[sflag:s4] =	ssyncset.s32 $0xFFFFF086  }
0x25: {  	[simem:s6], [sflag:s4] =	dma.local [hbm:s3], $0xF7A  }
0x26: {  	[smem:$0x3F94] =	sst s1;
	(tag) =	ssettag s2;
	_ =	strace s9  }
0x27: {  	s1 =	sld [smem:$0x3FA4]  }
0x28: {  	s2 =	sld [smem:$0x3FA5]  }
0x29: {  	s4 =	sld [smem:$0x3FA7]  }
0x2a: {  	p0 =	seq.s32 s5, $0x0;
	s5 =	sld [smem:$0x3FA8]  }
0x2b: {  	s6 =	sld [smem:$0x3FA9]  }
0x2c: {  	s7 =	sld [smem:$0x3FAA]  }
0x2d: {  	s3 =	simm.s32 $0x108;
	s8 =	sld [smem:$0x3FAB]  }
0x2e: {  	s3 =	simm.s32 @!p0 $0x1082;
	s9 =	sld [smem:$0x3FAC]  }
0x2f: {  	lr =	sadd.s32 s0, s3;
	s0 =	sld [smem:$0x3FA3]  }
0x30: {  	s3 =	sld [smem:$0x3FA6]  }
0x31: {  	[smem:$0x3FAF] =	sst s10  }
0x32: {  	s10 =	sld [smem:$0x3FAD];
	_ =	sdelay $0x3  }
0x33: {  	p0 =	seq.s32 s10, $0x1;
	s10 =	sld [smem:$0x3FAF];
	_ =	sdelay $0x3  }
0x34: {  	[smem:$0x3FAF] =	sst s10  }
0x35: {  	s10 =	sld [smem:$0x3FAE];
	_ =	sdelay $0x3  }
0x36: {  	p1 =	seq.s32 s10, $0x1;
	s10 =	sld [smem:$0x3FAF];
	_ =	sdelay $0x3  }
0x37: {  	[smem:$0x3FAF] =	sst s10  }
0x38: {  	s10 =	sld [smem:$0x3FB0]  }
0x39: {  	_ = 	snop;
	(pc) =	sbr.ind lr, $3  }
0x3a: {  	_ = 	snop  }
0x3b: {  	_ = 	snop  }
0x3c: {  	p2 =	seq.s32 s10, $0x1;
	s10 =	sld [smem:$0x3FAF]  }
0x3d: {  	_ =	shalt  }
0x3e: {  	_ =	shalt  }
0x3f: {  	_ =	shalt  }
0x40: {  	_ =	shalt  }
0x41: {  	_ =	shalt  }
0x42: {  	_ =	shalt  }
0x43: {  	_ =	shalt  }
0x44: {  	_ =	shalt  }
0x45: {  	_ =	shalt  }
0x46: {  	_ =	shalt  }
0x47: {  	_ =	shalt  }
0x48: {  	_ =	shalt  }
0x49: {  	_ =	shalt  }
0x4a: {  	_ =	shalt  }
0x4b: {  	_ =	shalt  }
0x4c: {  	_ =	shalt  }
0x4d: {  	_ =	shalt  }
0x4e: {  	_ =	shalt  }
0x4f: {  	_ =	shalt  }
0x50: {  	_ =	shalt  }
0x51: {  	_ =	shalt  }
0x52: {  	_ =	shalt  }
0x53: {  	_ =	shalt  }
0x54: {  	_ =	shalt  }
0x55: {  	_ =	shalt  }
0x56: {  	_ =	shalt  }
0x57: {  	_ =	shalt  }
0x58: {  	_ =	shalt  }
0x59: {  	_ =	shalt  }
0x5a: {  	_ =	shalt  }
0x5b: {  	_ =	shalt  }
0x5c: {  	_ =	shalt  }
0x5d: {  	_ =	shalt  }
0x5e: {  	_ =	shalt  }
0x5f: {  	_ =	shalt  }
0x60: {  	_ =	shalt  }
0x61: {  	_ =	shalt  }
0x62: {  	_ =	shalt  }
0x63: {  	_ =	shalt  }
0x64: {  	_ =	shalt  }
0x65: {  	_ =	shalt  }
0x66: {  	_ =	shalt  }
0x67: {  	_ =	shalt  }
0x68: {  	_ =	shalt  }
0x69: {  	_ =	shalt  }
0x6a: {  	_ =	shalt  }
0x6b: {  	_ =	shalt  }
0x6c: {  	_ =	shalt  }
0x6d: {  	_ =	shalt  }
0x6e: {  	_ =	shalt  }
0x6f: {  	_ =	shalt  }
0x70: {  	_ =	shalt  }
0x71: {  	_ =	shalt  }
0x72: {  	_ =	shalt  }
0x73: {  	_ =	shalt  }
0x74: {  	_ =	shalt  }
0x75: {  	_ =	shalt  }
0x76: {  	_ =	shalt  }
0x77: {  	_ =	shalt  }
0x78: {  	_ =	shalt  }
0x79: {  	_ =	shalt  }
0x7a: {  	_ =	shalt  }
0x7b: {  	_ =	shalt  }
0x7c: {  	_ =	shalt  }
0x7d: {  	_ =	shalt  }
0x7e: {  	_ =	shalt  }
0x7f: {  	_ =	shalt  }
0x80: {  	_ =	shalt  }
0x81: {  	_ =	shalt  }
0x82: {  	_ =	shalt  }
0x83: {  	_ =	shalt  }
0x84: {  	_ =	shalt  }
0x85: {  	_ =	shalt  }
0x86: {  	_ =	shalt  }
0x87: {  	_ =	shalt  }
.Lfunc_end0:
.L_simem_size_0:
called_computation.3_lowered:
.L_overlay_start_0:
0x88: {  	s2 =	sld [smem:$0x3FD9]  }
0x89: {  	s3 =	sld [smem:$0x3FFE];
	_ =	sdelay $0x1  }
0x8a: {  	s1 =	srdreg.scid  }
0x8b: {  	s0 =	sand.u32 $0x1, s1  }
0x8c: {  	s14 =	sshll.u32 s0, $0xA;
	s2 =	sadd.s32 s3, s2  }
0x8d: {  	s2 =	sadd.s32 s2, s14  }
0x8e: {  	[smem:$0x3FBB] =	sst s2  }
0x8f: {  	_ = 	snop  }
0x90: {  	s2 =	sld [smem:$0x3FD0];
	_ =	sdelay $0x2  }
0x91: {  	s15 =	simm.s32 $0xC;
	s4 =	simm.s32 $0x10  }
0x92: {  	[smem:s4], [sflag:s15] =	dma.local [hbm:s2], $0x1  }
0x93: {  	_ =	swait.eq [sflag:s15], $0x1  }
0x94: {  	[sflag:s15] =	ssyncset.done $0x0  }
0x95: {  	s16 =	sld [smem:$0x10];
	[sflag:s15] =	ssyncadd.s32 $0xFFFFFFFF  }
0x96: {  	s17 =	sld [smem:$0x11];
	(tm) =	ssettm $0x1  }
0x97: {  	s18 =	sld [smem:$0x3FFB];
	_ =	sdelay $0x3  }
0x98: {  	_ =	strace s18  }
0x99: {  	s4 =	sld [smem:$0x3FFC];
	_ =	sdelay $0x3  }
0x9a: {  	_ =	strace s4  }
0x9b: {  	s4 =	sld [smem:$0x3FFD];
	_ =	sdelay $0x3  }
0x9c: {  	_ =	strace s4  }
0x9d: {  	_ =	strace $0x8FFFFFFF  }
0x9e: {  	s19 =	sld [smem:$0x3FDB];
	_ =	sdelay $0x1  }
0x9f: {  	s5 =	simm.s32 $_scs_section_size  }
0xa0: {  	s6 =	simm.s32 $_size__tile_overlayer_lowered;
	s7 =	simm.s32 $_tile_overlayer_lowered  }
0xa1: {  	s22 =	simm.s32 $0x1BFF;
	s21 =	sshll.u32 s7, $0x1;
	s4 =	sadd.s32 s5, s19  }
0xa2: {  	s8 =	simm.s32 $0x0;
	s20 =	sshll.u32 s6, $0x1;
	s6 =	sadd.s32 s21, s4  }
0xa3: {  	[timem:s8], [sflag:s22] =	dma.local [hbm:s6], s20  }
0xa4: {  	_ =	swait.ge [sflag:s22], s20  }
0xa5: {  	s5 =	ssub.s32 $0x0, s20;
	[sflag:s22] =	ssyncset.done $0x0  }
0xa6: {  	[sflag:s22] =	ssyncadd.s32 s5;
	_ =	sdelay $0x1  }
0xa7: {  	s23 =	simm.s32 $0x1B8B  }
0xa8: {  	_ =	swait.ge [sflag:s23], $0x1  }
0xa9: {  	[sflag:s23] =	ssyncset.done $0x0  }
0xaa: {  	s25 =	simm.s32 $0x1B8E;
	s24 =	sld [smem:$0x3FFE];
	[sflag:s23] =	ssyncadd.s32 $0xFFFFFFFF  }
0xab: {  	s26 =	simm.s32 $execute0_lowered;
	[smem:$0x3FD2] =	sst s25  }
0xac: {  	s6 =	sshll.u32 s26, $0x1;
	_ =	strace $0x80000046;
	[dreg:$0x1] =	wrdreg $0xFFFFFFFF  }
0xad: {  	s28 =	simm.s32 $_size_execute0_lowered;
	s4 =	sadd.s32 s4, s6;
	[dreg:$0x0] =	wrdreg $0x0  }
0xae: {  	s6 =	sshll.u32 s28, $0x1;
	[dreg:$0x2] =	wrdreg s4  }
0xaf: {  	[dreg:$0x3] =	wrdreg s6  }
0xb0: {  	[dreg:$0x4] =	wrdreg $0xC0  }
0xb1: {  	_ =	task [dreg:s8], $0x5FFFF  }
0xb2: {  	[dreg:$0x1] =	wrdreg $0xFFFFFFFF  }
0xb3: {  	[dreg:$0x0] =	wrdreg $0x60  }
0xb4: {  	[dreg:$0x2] =	wrdreg s24  }
0xb5: {  	[dreg:$0x3] =	wrdreg s17  }
0xb6: {  	[dreg:$0x4] =	wrdreg s16  }
0xb7: {  	[dreg:$0x5] =	wrdreg $0x9  }
0xb8: {  	_ =	task.clear_ibuf [dreg:s8], $0x6FFFF;
	_ =	strace $0x90000046  }
0xb9: {  	s29 =	simm.s32 $0x9;
	_ =	strace $0x80000048  }
0xba: {  	_ =	swait.ge [sflag:s29], $0x1  }
0xbb: {  	[sflag:s29] =	ssyncadd.s32 $0xFFFFFFFF  }
0xbc: {  	_ =	strace $0x90000048  }
0xbd: {  	_ =	sfence  }
0xbe: {  	s30 =	sld [smem:$0x0];
	_ =	sdelay $0x2  }
0xbf: {  	s31 =	sshll.u32 s1, $0xD;
	s1 =	sshrl.u32 s1, $0x2  }
0xc0: {  	s3 =	sand.u32 $0x4000, s31;
	s1 =	sadd.s32 s1, s30  }
0xc1: {  	s0 =	sor.u32 s3, s0;
	s1 =	sshll.u32 s1, $0x11  }
0xc2: {  	s0 =	sor.u32 s1, s0  }
0xc3: {  	s0 =	sadd.s32 $0x8F2B, s0  }
0xc4: {  	[sflag:s0] =	ssyncadd.remote.s32 $0x1  }
0xc5: {  	_ =	sfence.sel $0xFFFF  }
0xc6: {  	[dreg:$0x0] =	wrdreg $0xFFFFFFFF;
	(pc) =	sbr.abs _section_cstart, $3  }
0xc7: {  	[dreg:$0x1] =	wrdreg $0xFFFFFFFF  }
0xc8: {  	_ =	task.clear_ibuf [dreg:s8], $0x2FFFF;
	_ =	strace $0x9FFFFFFF  }
0xc9: {  	(tm) =	ssettm $0x7FFFFFFF  }
tec
execute0_lowered:
.L_overlay_start_1:
0x0: {  	(tag) =	ssettag $0x1  }
0x1: {  	s7 =	rddreg [dreg:$0x0]  }
0x2: {  	s2 =	rddreg [dreg:$0x1]  }
0x3: {  	s3 =	rddreg [dreg:$0x2]  }
0x4: {  	s0 =	rddreg [dreg:$0x3];
	s1 =	srdreg.scid;
	_ =	strace $0x80000047  }
0x5: {  	s4 =	simm.s32 $0x1;
	s9 =	simm.s32 $0x3;
	s5 =	sshll.u32 s1, $0x4  }
.Ltmp0:
0x6: {  	s1 =	stileid.u32;
	s5 =	sand.u32 $0x10, s5;
	(pc) =	sbr.rel .LBB2_1-.Ltmp0, $4  }
0x7: {  	s12 =	simm.s32 $0x0;
	s10 =	simm.s32 $0x0;
	s6 =	sor.u32 s1, s5  }
0x8: {  	[sflag:s4] =	ssyncpa.u1 $0x0;
	s5 =	simm.s32 $0x2;
	s6 =	sshll.u32 s6, $0x7  }
0x9: {  	s7 =	sadd.s32 $0x800, s7;
	[sflag:s5] =	ssyncpa.u1 $0x0;
	s8 =	sadd.s32 $0x80, s6  }
0xa: {  	vm0 =	vmmov $0xff;
	vm1 =	vcmask $0x3F20;
	[sflag:s9] =	ssyncpa.u1 $0x0;
	s9 =	simm.s32 $0x80;
	s11 =	smov.u32 s6  }
.LBB2_9:
0xb: {  	p0 =	seq.s32 s10, $0x2  }
.Ltmp1:
0xc: {  	_ = 	snop;
	(pc) =	sbr.rel @p0 .LBB2_11-.Ltmp1, $1  }
0xd: {  	_ =	sdelay $0x3  }
.LBB2_10:
0xe: {  	s12 =	sadd.s32 $0x80, s11  }
0xf: {  	s13 =	smov.u32 s6;
	p0 =	slt.s32 s12, s8  }
0x10: {  	s13 =	smov.u32 @p0 s12  }
0x11: {  	s10 =	sadd.s32 $0x1, s10;
	s12 =	smov.u32 s11;
	s11 =	smov.u32 s13  }
.LBB2_1:
0x12: {  	p0 =	sne.s32 s10, $0x0  }
.Ltmp2:
0x13: {  	_ = 	snop;
	(pc) =	sbr.rel @!p0 .LBB2_2-.Ltmp2, $1  }
0x14: {  	_ =	sdelay $0x3  }
0x15: {  	s13 =	sand.u32 $0x1, s10  }
0x16: {  	p0 =	seq.s32 s13, $0x0  }
.Ltmp3:
0x17: {  	_ = 	snop;
	(pc) =	sbr.rel @p0 .LBB2_9-.Ltmp3, $1  }
0x18: {  	_ =	sdelay $0x3  }
0x19: {  	_ =	swait.ge [sflag:s5], $0x80  }
0x1a: {  	[sflag:s5] =	ssyncset.done $0x0  }
0x1b: {  	s13 =	simm.s32 $0x0;
	[sflag:s5] =	ssyncadd.s32 $0xFFFFFF80  }
0x1c: {  	v0 =	vld.msk [tilespmem:s13+$0x80 ss:$0x1], $0xffff;
	_ =	sdelay $0x4  }
0x1d: {  	v1 =	vshll.u32 v0, $0x5  }
0x1e: {  	vm2 =	veq.s32 v0, $0x80000000;
	v0 =	vshll.u32 v0, $0x12;
	v1 =	vand.u32 $0x3FF80, v1  }
0x1f: {  	v0 =	vand.u32 $0xC0000, v0;
	v1 =	vsel vm2, $0xFFFFFF80, v1  }
0x20: {  	v0 =	vsel vm2, $0xFFFC0000, v0;
	v2 =	vand.u32 $0xFFFFFC00, v1  }
0x21: {  	v1 =	vand.u32 $0x380, v1;
	v0 =	vadd.s32 v0, v2  }
0x22: {  	v0 =	vor.u32 v1, v0  }
0x23: {  	v0 =	vshrl.u32 v0, $0x3;
	_ =	sdelay $0x3  }
0x24: {  	s13 =	simm.s32 $0x4100  }
0x25: {  	[tilespmem:s13], [sflag:$0x1] =	stream.indirect_vreg.gather [hbm:s7], $0x80, v0, vm0, $0x38;
	[tilespmem:$0x8100] =	vst v63  }
0x26: {  	s14 =	simm.s32 $0x4500;
	s31 =	simm.s32 $0x10  }
0x27: {  	[tilespmem:s14], [sflag:$0x1] =	stream.indirect_vreg.gather [hbm:s7], $0x80, v0, vm1, $0x38;
	[tilespmem:$0x8100] =	vst v63  }
0x28: {  	s14 =	simm.s32 $0x80;
	v0 =	vld.msk [tilespmem:s31+$0x80 ss:$0x1], $0xffff  }
.LBB2_5:
0x29: {  	p0 =	sne.s32 s14, $0x1C0;
	_ =	sdelay $0x4  }
0x2a: {  	v1 =	vshll.u32 v0, $0x5  }
0x2b: {  	vm2 =	veq.s32 v0, $0x80000000;
	v0 =	vshll.u32 v0, $0x12;
	v1 =	vand.u32 $0x3FF80, v1  }
0x2c: {  	v0 =	vand.u32 $0xC0000, v0;
	v1 =	vsel vm2, $0xFFFFFF80, v1  }
0x2d: {  	v0 =	vsel vm2, $0xFFFC0000, v0;
	v2 =	vand.u32 $0xFFFFFC00, v1  }
0x2e: {  	v1 =	vand.u32 $0x380, v1;
	v0 =	vadd.s32 v0, v2  }
0x2f: {  	v0 =	vor.u32 v1, v0  }
0x30: {  	v0 =	vshrl.u32 v0, $0x3;
	_ =	sdelay $0x3  }
.Ltmp4:
0x31: {  	s13 =	sadd.s32 $0x800, s13;
	(pc) =	sbr.rel @p0 .LBB2_5-.Ltmp4, $4  }
0x32: {  	[tilespmem:s13], [sflag:$0x1] =	stream.indirect_vreg.gather [hbm:s7], $0x80, v0, vm0, $0x38;
	[tilespmem:$0x8100] =	vst v63  }
0x33: {  	s15 =	sshra.s32 s14, $0x2;
	s16 =	sadd.s32 $0x400, s13  }
0x34: {  	[tilespmem:s16], [sflag:$0x1] =	stream.indirect_vreg.gather [hbm:s7], $0x80, v0, vm1, $0x38;
	[tilespmem:$0x8100] =	vst v63  }
0x35: {  	s14 =	sadd.s32 $0x40, s14;
	v0 =	vld.msk [tilespmem:s15+$0x80 ss:$0x1], $0xffff  }
0x36: {  	_ =	sdelay $0x3  }
0x37: {  	v1 =	vshll.u32 v0, $0x5  }
0x38: {  	vm2 =	veq.s32 v0, $0x80000000;
	v63 =	vshll.u32 v0, $0x12;
	v1 =	vand.u32 $0x3FF80, v1  }
0x39: {  	v0 =	vand.u32 $0xC0000, v63;
	v1 =	vsel vm2, $0xFFFFFF80, v1  }
0x3a: {  	v0 =	vsel vm2, $0xFFFC0000, v0;
	v2 =	vand.u32 $0xFFFFFC00, v1  }
0x3b: {  	v1 =	vand.u32 $0x380, v1;
	v0 =	vadd.s32 v0, v2  }
0x3c: {  	v0 =	vor.u32 v1, v0  }
0x3d: {  	v0 =	vshrl.u32 v0, $0x3;
	_ =	sdelay $0x3  }
0x3e: {  	s13 =	sadd.s32 $0x800, s13  }
0x3f: {  	[tilespmem:s13], [sflag:$0x1] =	stream.indirect_vreg.gather [hbm:s7], $0x80, v0, vm0, $0x38;
	[tilespmem:$0x8100] =	vst v63  }
0x40: {  	s13 =	sadd.s32 $0x400, s13  }
0x41: {  	[tilespmem:s13], [sflag:$0x1] =	stream.indirect_vreg.gather [hbm:s7], $0x80, v0, vm1, $0x38;
	[tilespmem:$0x8100] =	vst v63  }
0x42: {  	s12 =	sshll.u32 s12, $0x4;
	s14 =	simm.s32 $0x80;
	_ =	swait.ge [sflag:s4], $0x4000  }
0x43: {  	s15 =	simm.s32 $0x4500;
	s12 =	sadd.s32 s12, s3;
	[sflag:s4] =	ssyncset.done $0x0  }
0x44: {  	s16 =	sadd.s32 $0x0, s12;
	s13 =	simm.s32 $0x4100;
	[sflag:s4] =	ssyncadd.s32 $0xFFFFC000  }
.LBB2_7:
0x45: {  	[hbm:s16] =	stream.linear.scatter [tilespmem:s13], [sflag:$0x3], $0x400, $0x38;
	[tilespmem:$0x8100] =	vst v63  }
0x46: {  	s16 =	smov.u32 s14;
	s13 =	smov.u32 s15;
	p0 =	sne.s32 s14, $0x780  }
.Ltmp5:
0x47: {  	s14 =	sadd.s32 $0x80, s14;
	(pc) =	sbr.rel @p0 .LBB2_7-.Ltmp5, $2  }
0x48: {  	_ =	sdelay $0x2  }
0x49: {  	s15 =	sadd.s32 $0x400, s15;
	s16 =	sadd.s32 s16, s12  }
.Ltmp6:
0x4a: {  	(pc) =	sbr.rel .LBB2_9-.Ltmp6, $2  }
0x4b: {  	_ =	sdelay $0x2  }
0x4c: {  	[hbm:s16] =	stream.linear.scatter [tilespmem:s13], [sflag:$0x3], $0x400, $0x38;
	[tilespmem:$0x8100] =	vst v63  }
.LBB2_2:
.Ltmp7:
0x4d: {  	(pc) =	sbr.rel .LBB2_10-.Ltmp7, $4  }
0x4e: {  	_ = 	snop  }
0x4f: {  	s12 =	sshrl.u32 s11, $0x3  }
0x50: {  	s13 =	sand.u32 $0x7, s11;
	s12 =	sadd.s32 s2, s12  }
0x51: {  	[tilespmem:s9], [sflag:$0x2] =	stream.linear.gather [hbm4b:s12+s13], $0x80, $0x38;
	[tilespmem:$0x8100] =	vst v63  }
.LBB2_11:
0x52: {  	s2 =	simm.s32 $0x3  }
0x53: {  	_ =	swait.ge [sflag:s2], $0x4000  }
0x54: {  	[sflag:s2] =	ssyncset.done $0x0  }
0x55: {  	[sflag:s2] =	ssyncadd.s32 $0xFFFFC000  }
0x56: {  	_ =	sfence.sel $0x180000  }
0x57: {  	s3 =	simm.s32 $0x2;
	[bflag:$0x0] =	sbarrier.arrive $0xFFFF  }
0x58: {  	[sflag:s3] =	ssyncpa.u1 $0x1  }
0x59: {  	s31 =	simm.s32 $0x1;
	[sflag:s2] =	ssyncpa.u1 $0x1  }
0x5a: {  	[sflag:s31] =	ssyncpa.u1 $0x1  }
0x5b: {  	p0 =	sne.s32 s1, $0x0;
	_ =	strace $0x90000047  }
0x5c: {  	s0 =	sadd.s32 @!p0 $0x100000, s0;
	[bflag:$0x2] =	sbarrier.arrive $0xFFFF  }
0x5d: {  	[sflag:s0] =	ssyncadd.tile.s32 @!p0 $0x1;
	_ =	shalt  }
.Lfunc_end2:
_tile_overlayer_lowered:
.L_overlay_start_2:
0x5e: {  	(tag) =	ssettag $0x2  }
0x5f: {  	s0 =	rddreg [dreg:$0x0];
	s2 =	stileid.u32  }
0x60: {  	s1 =	rddreg [dreg:$0x1];
	p0 =	sne.s32 s2, $0x0  }
0x61: {  	s3 =	rddreg [dreg:$0x2];
	[bflag:$0x3] =	sbarrier.arrive $0xFFFF;
	s2 =	simm.s32 @!p0 $0x1C01  }
0x62: {  	[timem:s3], [sflag:s2] =	dma.local @!p0 [hbm:s0], s1  }
0x63: {  	s0 =	simm.s32 @!p0 $0x1  }
0x64: {  	_ =	swait.ge @!p0 [sflag:s0], s1  }
0x65: {  	s1 =	ssub.s32 @!p0 $0x0, s1;
	[sflag:s0] =	ssyncset.done @!p0 $0x0  }
0x66: {  	[sflag:s0] =	ssyncadd.s32 @!p0 s1  }
0x67: {  	[bflag:$0x3] =	sbarrier.arrive $0xFFFF  }
0x68: {  	_ =	shalt  }

// kernel: sparse-core-data-format-call.1.cloned.1.call-start
scs
called_computation.1_lowered:
.L_overlay_start_0:
0x0: {  	s2 =	sld [smem:$0x3FD9]  }
0x1: {  	s3 =	sld [smem:$0x3FFE];
	_ =	sdelay $0x1  }
0x2: {  	s1 =	srdreg.scid  }
0x3: {  	s0 =	sand.u32 $0x1, s1  }
0x4: {  	s18 =	sshll.u32 s0, $0xA;
	s2 =	sadd.s32 s3, s2  }
0x5: {  	s2 =	sadd.s32 s2, s18  }
0x6: {  	[smem:$0x3FBB] =	sst s2  }
0x7: {  	_ = 	snop  }
0x8: {  	(tm) =	ssettm $0x1  }
0x9: {  	s19 =	sld [smem:$0x3FFB];
	_ =	sdelay $0x3  }
0xa: {  	_ =	strace s19  }
0xb: {  	s2 =	sld [smem:$0x3FFC];
	_ =	sdelay $0x3  }
0xc: {  	_ =	strace s2  }
0xd: {  	s2 =	sld [smem:$0x3FFD];
	_ =	sdelay $0x3  }
0xe: {  	_ =	strace s2  }
0xf: {  	_ =	strace $0x8FFFFFFF  }
0x10: {  	s20 =	sld [smem:$0x3FDB];
	_ =	sdelay $0x1  }
0x11: {  	s21 =	simm.s32 $_scs_section_size  }
0x12: {  	s4 =	simm.s32 $_size__tile_overlayer_lowered;
	s5 =	simm.s32 $_tile_overlayer_lowered  }
0x13: {  	s6 =	simm.s32 $0x1BFF;
	s22 =	sshll.u32 s5, $0x1;
	s3 =	sadd.s32 s21, s20  }
0x14: {  	s23 =	simm.s32 $0x0;
	s4 =	sshll.u32 s4, $0x1;
	s5 =	sadd.s32 s22, s3  }
0x15: {  	[timem:s23], [sflag:s6] =	dma.local [hbm:s5], s4  }
0x16: {  	_ =	swait.ge [sflag:s6], s4  }
0x17: {  	s4 =	ssub.s32 $0x0, s4;
	[sflag:s6] =	ssyncset.done $0x0  }
0x18: {  	[sflag:s6] =	ssyncadd.s32 s4;
	_ =	sdelay $0x1  }
0x19: {  	s24 =	simm.s32 $0x1B8B  }
0x1a: {  	_ =	swait.ge [sflag:s24], $0x1  }
0x1b: {  	[sflag:s24] =	ssyncset.done $0x0  }
0x1c: {  	[sflag:s24] =	ssyncadd.s32 $0xFFFFFFFF  }
0x1d: {  	s4 =	sld [smem:$0x0]  }
0x1e: {  	s5 =	sand.u32 $0xFFFFFFFE, s1  }
0x1f: {  	p0 =	sne.s32 s1, s5  }
0x20: {  	s5 =	sshll.u32 @p0 s5, $0xE  }
0x21: {  	s5 =	sadd.s32 @p0 $0x11B8D, s5;
	s6 =	sshll.u32 @p0 s4, $0x11  }
0x22: {  	s5 =	sor.u32 @p0 s6, s5  }
0x23: {  	[sflag:s5] =	ssyncadd.remote.s32 @p0 $0x1;
	_ =	sdelay $0x1  }
0x24: {  	s5 =	simm.s32 @p0 $0x1B8D  }
0x25: {  	_ =	swait.eq @p0 [sflag:s5], $0x1  }
0x26: {  	[sflag:s5] =	ssyncadd.s32 @p0 $0xFFFFFFFF  }
0x27: {  	s6 =	sshll.u32 @!p0 s1, $0xE  }
0x28: {  	s6 =	sor.u32 @!p0 $0x4000, s6;
	s5 =	simm.s32 @!p0 $0x1B8D  }
0x29: {  	s4 =	sshll.u32 @!p0 s4, $0x11;
	s6 =	sadd.s32 @!p0 $0x11B8D, s6;
	_ =	swait.eq @!p0 [sflag:s5], $0x1  }
0x2a: {  	s4 =	sor.u32 @!p0 s4, s6;
	[sflag:s5] =	ssyncadd.s32 @!p0 $0xFFFFFFFF  }
0x2b: {  	s26 =	simm.s32 $0x1B8E;
	s25 =	sld [smem:$0x3FFE];
	[sflag:s4] =	ssyncadd.remote.s32 @!p0 $0x1  }
0x2c: {  	s27 =	simm.s32 $execute0_lowered;
	[smem:$0x3FD2] =	sst s26  }
0x2d: {  	s5 =	sshll.u32 s27, $0x1;
	_ =	strace $0x8000004F;
	[dreg:$0x1] =	wrdreg $0xFFFFFFFF  }
0x2e: {  	s28 =	simm.s32 $_size_execute0_lowered;
	s3 =	sadd.s32 s3, s5;
	[dreg:$0x0] =	wrdreg $0x0  }
0x2f: {  	s5 =	sshll.u32 s28, $0x1;
	[dreg:$0x2] =	wrdreg s3  }
0x30: {  	[dreg:$0x3] =	wrdreg s5  }
0x31: {  	[dreg:$0x4] =	wrdreg $0xC0  }
0x32: {  	_ =	task [dreg:s23], $0x5FFFF  }
0x33: {  	[dreg:$0x1] =	wrdreg $0xFFFFFFFF  }
0x34: {  	[dreg:$0x0] =	wrdreg $0x60  }
0x35: {  	[dreg:$0x2] =	wrdreg s25  }
0x36: {  	[dreg:$0x3] =	wrdreg $0xA  }
0x37: {  	_ =	task.clear_ibuf [dreg:s23], $0x4FFFF;
	_ =	strace $0x9000004F  }
0x38: {  	s29 =	simm.s32 $0xA;
	_ =	strace $0x80000051  }
0x39: {  	_ =	swait.ge [sflag:s29], $0x1  }
0x3a: {  	[sflag:s29] =	ssyncadd.s32 $0xFFFFFFFF  }
0x3b: {  	_ =	strace $0x90000051  }
0x3c: {  	_ =	sfence  }
0x3d: {  	s30 =	sld [smem:$0x0];
	_ =	sdelay $0x2  }
0x3e: {  	s31 =	sshll.u32 s1, $0xD;
	s1 =	sshrl.u32 s1, $0x2  }
0x3f: {  	s4 =	sand.u32 $0x4000, s31;
	s1 =	sadd.s32 s1, s30  }
0x40: {  	s0 =	sor.u32 s4, s0;
	s1 =	sshll.u32 s1, $0x11  }
0x41: {  	s0 =	sor.u32 s1, s0  }
0x42: {  	s0 =	sadd.s32 $0x8F2B, s0  }
0x43: {  	[sflag:s0] =	ssyncadd.remote.s32 $0x1  }
0x44: {  	_ =	sfence.sel $0xFFFF  }
0x45: {  	[dreg:$0x0] =	wrdreg $0xFFFFFFFF;
	(pc) =	sbr.abs _section_cstart, $3  }
0x46: {  	[dreg:$0x1] =	wrdreg $0xFFFFFFFF  }
0x47: {  	_ =	task.clear_ibuf [dreg:s23], $0x2FFFF;
	_ =	strace $0x9FFFFFFF  }
0x48: {  	(tm) =	ssettm $0x7FFFFFFF  }
0x49: {  	_ =	shalt  }
tec
execute0_lowered:
.L_overlay_start_1:
0x0: {  	(tag) =	ssettag $0x1  }
0x1: {  	s0 =	stileid.u32;
	s1 =	srdreg.scid  }
0x2: {  	s4 =	rddreg [dreg:$0x0];
	s2 =	sshll.u32 s0, $0x5;
	s1 =	sshll.u32 s1, $0x9  }
0x3: {  	s5 =	simm.s32 $0x1;
	s8 =	simm.s32 $0x2;
	s1 =	sor.u32 s2, s1  }
0x4: {  	s14 =	simm.s32 $0x0;
	s9 =	simm.s32 $0x1400;
	s2 =	sand.u32 $0x380, s1  }
0x5: {  	s16 =	simm.s32 $0x0;
	s15 =	simm.s32 $0x0;
	s3 =	ssub.s32 $0x800, s2  }
0x6: {  	s12 =	simm.s32 $0x0;
	s7 =	sand.u32 $0x3, s0;
	s31 =	sand.u32 $0x380, s3  }
0x7: {  	s13 =	simm.s32 $0x0;
	s11 =	smov.u32 s7;
	p0 =	sne.s32 s31, $0x0  }
.Ltmp0:
0x8: {  	s6 =	sshrl.u32 s3, $0xA;
	s5 =	simm.s32 @!p0 $0x0;
	(pc) =	sbr.rel .LBB1_1-.Ltmp0, $4  }
0x9: {  	s1 =	rddreg [dreg:$0x1];
	_ =	strace $0x80000050;
	s6 =	sadd.s32 s5, s6  }
0xa: {  	s10 =	smov.u32 s2;
	s5 =	simm.s32 $0x1;
	s6 =	smul.u32 $0xA, s6  }
0xb: {  	s3 =	sadd.s32 $0x4A5600, s4;
	s4 =	sadd.s32 $0x5D8A00, s4;
	[sflag:s5] =	ssyncpa.u1 $0x0  }
0xc: {  	p0 =	por $0x0, $0x0;
	[sflag:s8] =	ssyncpa.u1 $0x0;
	s8 =	sor.u32 $0x1, s6  }
.LBB1_4:
0xd: {  	s22 =	sshrl.u32 s16, $0x2  }
0xe: {  	s23 =	sshll.u32 s15, $0x2;
	s22 =	smul.u32 $0x1400, s22  }
0xf: {  	s27 =	sshll.u32 s16, $0x7;
	s23 =	sand.u32 $0xFFFFFE00, s23  }
0x10: {  	v5 =	vld [tilespmem:s20+$0xFFFFFFD0];
	[tilespmem:s19+$0x2040 ss:$0x81] =	vst.msk $0xffff, v4;
	s16 =	sand.u32 $0x180, s27;
	s22 =	sadd.s32 s23, s22  }
0x11: {  	v58 =	vld [tilespmem:s20+$0xFFFFFFE0];
	[tilespmem:s19+$0x2850 ss:$0x81] =	vst.msk $0xffff, v3;
	s28 =	sand.u32 $0x7F, s15;
	s16 =	sor.u32 s16, s22  }
0x12: {  	s21 =	sshra.s32 s21, $0x2;
	v59 =	vld [tilespmem:s20+$0xFFFFFFF0];
	[tilespmem:s19+$0x3060 ss:$0x81] =	vst.msk $0xffff, v2;
	s15 =	sor.u32 s28, s16  }
0x13: {  	v60 =	vld [tilespmem:s20+$0x0];
	[tilespmem:s19+$0x0 ss:$0x81] =	vst.msk $0xffff, v0;
	s18 =	sadd.s32 s21, s18;
	s29 =	smulhi.u32 $0xCCCCCCCD, s15  }
0x14: {  	v61 =	vld [tilespmem:s20+$0x10];
	[tilespmem:s18+$0x3870 ss:$0x81] =	vst.msk $0xffff, v1;
	s16 =	smulhi.u32 $0xCCCCCCCD, s16  }
0x15: {  	v62 =	vld [tilespmem:s20+$0x20];
	[tilespmem:s18+$0x810 ss:$0x81] =	vst.msk $0xffff, v5;
	s19 =	sshrl.u32 s29, $0xA  }
0x16: {  	v63 =	vld [tilespmem:s20+$0xFFFFFFC0];
	[tilespmem:s18+$0x1020 ss:$0x81] =	vst.msk $0xffff, v58;
	s16 =	sshrl.u32 s16, $0xA;
	s19 =	smul.u32 $0x500, s19  }
0x17: {  	s14 =	smul.u32 $0x280, s14;
	[tilespmem:s18+$0x1830 ss:$0x81] =	vst.msk $0xffff, v59;
	s16 =	sand.u32 $0x3, s16  }
0x18: {  	[tilespmem:s18+$0x2040 ss:$0x81] =	vst.msk $0xffff, v60;
	s16 =	smul.u32 $0xA0, s16;
	s15 =	ssub.s32 s15, s19  }
0x19: {  	s14 =	sadd.s32 s4, s14;
	[tilespmem:s18+$0x2850 ss:$0x81] =	vst.msk $0xffff, v61;
	s19 =	sand.u32 $0x7, s15  }
0x1a: {  	[tilespmem:s18+$0x3060 ss:$0x81] =	vst.msk $0xffff, v62;
	s14 =	sadd.s32 s16, s14;
	s15 =	sshrl.u32 s15, $0x3;
	s30 =	sshll.u32 s19, $0x12  }
0x1b: {  	[tilespmem:s18+$0x0 ss:$0x81] =	vst.msk $0xffff, v63;
	s14 =	sadd.s32 s15, s14;
	s31 =	sor.u32 $0x80, s30  }
0x1c: {  	[hbm4b:s14+s31] =	stream.strided.scatter [tilespmem:s17], [sflag:$0x2], $0x4000, s9, s31, $0x20;
	[tilespmem:$0x10100] =	vst v63  }
.LBB1_5:
0x1d: {  	s17 =	sadd.s32 $0x400, s10  }
0x1e: {  	s14 =	sadd.s32 $0x4, s11;
	s18 =	smov.u32 s11;
	p2 =	sgt.s32 s17, $0x7FF  }
0x1f: {  	s18 =	smov.u32 @p2 s14  }
0x20: {  	s20 =	smov.u32 s12;
	s14 =	sadd.s32 $0x80, s12;
	p3 =	sgt.s32 s18, $0x3  }
0x21: {  	s20 =	smov.u32 @p3 s14  }
0x22: {  	s17 =	smov.u32 @p2 s2;
	p2 =	sgt.s32 s20, $0x4CC  }
0x23: {  	p1 =	slt.u32 s13, $0x2;
	s20 =	simm.s32 @p2 $0x0;
	p2 =	sne.s32 s13, s8  }
.Ltmp1:
0x24: {  	s19 =	simm.s32 @!p1 $0x2;
	(pc) =	sbr.rel @!p2 .LBB1_6-.Ltmp1, $4  }
0x25: {  	s16 =	smov.u32 s11;
	s15 =	smov.u32 s12;
	_ =	swait.ge @!p1 [sflag:s19], $0x4000  }
0x26: {  	p0 =	por !p0, !p0;
	[sflag:s19] =	ssyncset.done @!p1 $0x0;
	s18 =	smov.u32 @p3 s7  }
0x27: {  	s14 =	smov.u32 s10;
	[sflag:s19] =	ssyncadd.s32 @!p1 $0xFFFFC000;
	s10 =	smov.u32 s17  }
0x28: {  	s11 =	smov.u32 s18;
	s13 =	sadd.s32 $0x1, s13;
	s12 =	smov.u32 s20  }
.LBB1_1:
0x29: {  	p1 =	sge.u32 s13, s6;
	s19 =	smov.u32 s12  }
0x2a: {  	s21 =	smov.u32 s10;
	s31 =	sadd.s32 $0xFFFFFFFF, s13;
	s17 =	sand.u32 @!p1 $0x78, s10  }
0x2b: {  	s18 =	sshll.u32 @!p1 s11, $0x7;
	p2 =	sgt.s32 @!p1 s12, $0x44D;
	s20 =	sshra.s32 @!p1 s12, $0x1F  }
0x2c: {  	s18 =	sand.u32 @!p1 $0x180, s18;
	p2 =	por !p2, p1;
	s20 =	sand.u32 @!p1 s20, s12  }
0x2d: {  	s19 =	simm.s32 @p2 $0x44D;
	p2 =	sgt.s32 @!p1 s11, $0x3;
	s17 =	sor.u32 @!p1 s18, s17  }
0x2e: {  	s18 =	ssub.s32 @!p1 s19, s20;
	p2 =	por !p2, p1;
	s19 =	smov.u32 s11  }
0x2f: {  	s20 =	sshra.s32 @!p1 s11, $0x1F;
	s19 =	simm.s32 @p2 $0x3;
	p2 =	sgt.s32 @!p1 s10, $0x780  }
0x30: {  	s22 =	sshra.s32 @!p1 s10, $0x1F;
	s20 =	sand.u32 @!p1 s20, s11;
	p2 =	por !p2, p1  }
0x31: {  	s19 =	ssub.s32 @!p1 s19, s20;
	s20 =	sand.u32 @!p1 s22, s10;
	s22 =	sadd.s32 @!p1 $0xFFFFFBB3, s18  }
0x32: {  	s18 =	ssub.s32 @!p1 $0x4CD, s18;
	s21 =	simm.s32 @p2 $0x780;
	p2 =	sgt.s32 @!p1 s22, $0x7F  }
0x33: {  	s20 =	ssub.s32 @!p1 s21, s20;
	s21 =	sadd.s32 @!p1 $0xFFFFFFFD, s19;
	p2 =	por !p2, p1  }
0x34: {  	s19 =	ssub.s32 @!p1 $0x4, s19;
	p3 =	sgt.s32 @!p1 s21, $0x0;
	s21 =	sadd.s32 @!p1 $0xFFFFF880, s20  }
0x35: {  	p4 =	sgt.s32 @!p1 s21, $0x7F;
	s21 =	sshll.u32 @!p1 s10, $0x2;
	p3 =	por !p3, p1  }
0x36: {  	s18 =	simm.s32 @!p2 $0x0;
	s19 =	simm.s32 @!p3 $0x0;
	s21 =	sand.u32 @!p1 $0x600, s21  }
0x37: {  	p2 =	por !p4, p1;
	s18 =	smul.u32 @!p1 s18, s19;
	s19 =	ssub.s32 @!p1 $0x800, s20  }
0x38: {  	s20 =	sxor.u32 @!p1 $0xFFFFFFFF, s13;
	s17 =	sor.u32 @!p1 s21, s17;
	s19 =	simm.s32 @!p2 $0x0  }
0x39: {  	s21 =	sshrl.u32 @!p1 s10, $0x1;
	s18 =	smul.u32 @!p1 s19, s18;
	s19 =	sshll.u32 @!p1 s12, $0xA  }
0x3a: {  	s20 =	sshll.u32 @!p1 s20, $0xE;
	s21 =	sand.u32 @!p1 $0x300, s21;
	s19 =	sadd.s32 @!p1 s3, s19  }
0x3b: {  	s17 =	sshrl.u32 @!p1 s17, $0x3;
	s19 =	sadd.s32 @!p1 s21, s19;
	s21 =	sand.u32 @!p1 $0x7, s10  }
0x3c: {  	s20 =	sand.u32 @!p1 $0x4000, s20;
	s18 =	sand.u32 @!p1 $0x3FFFFFFF, s18;
	s21 =	sshll.u32 @!p1 s21, $0x12  }
0x3d: {  	s17 =	sadd.s32 @!p1 s17, s19;
	s19 =	sor.u32 @!p1 $0x80, s21;
	s21 =	simm.s32 @!p1 $0x2000  }
0x3e: {  	[tilespmem:s20], [sflag:$0x1] =	stream.strided.gather @!p1 [hbm4b:s17+s19], s18, s21, s19, $0x38;
	[tilespmem:$0x10100] =	vst v63  }
0x3f: {  	p1 =	sge.u32 s31, s6  }
.Ltmp2:
0x40: {  	_ = 	snop;
	(pc) =	sbr.rel @p1 .LBB1_5-.Ltmp2, $1  }
0x41: {  	_ =	sdelay $0x3  }
0x42: {  	p1 =	sgt.s32 s15, $0x44D;
	s17 =	smov.u32 s15;
	s18 =	sshra.s32 s15, $0x1F  }
0x43: {  	s17 =	simm.s32 @!p1 $0x44D;
	s18 =	sand.u32 s18, s15  }
0x44: {  	s17 =	ssub.s32 s17, s18  }
0x45: {  	p2 =	sgt.s32 s16, $0x3;
	s19 =	sshra.s32 s16, $0x1F;
	s18 =	sadd.s32 $0xFFFFFBB3, s17  }
0x46: {  	s20 =	sshra.s32 s14, $0x1F;
	p1 =	sgt.s32 s18, $0x7F;
	s18 =	smov.u32 s16  }
0x47: {  	s19 =	sand.u32 s19, s16;
	s20 =	sand.u32 s20, s14;
	s18 =	simm.s32 @!p2 $0x3  }
0x48: {  	p2 =	sgt.s32 s14, $0x780;
	s18 =	ssub.s32 s18, s19;
	s19 =	smov.u32 s14  }
0x49: {  	s17 =	ssub.s32 $0x4CD, s17;
	s21 =	sadd.s32 $0xFFFFFFFD, s18;
	s19 =	simm.s32 @!p2 $0x780  }
0x4a: {  	s18 =	ssub.s32 $0x4, s18;
	p2 =	sgt.s32 s21, $0x0;
	s19 =	ssub.s32 s19, s20  }
0x4b: {  	s17 =	simm.s32 @p1 $0x0;
	s18 =	simm.s32 @p2 $0x0;
	s20 =	sadd.s32 $0xFFFFF880, s19  }
0x4c: {  	s17 =	smul.u32 s17, s18;
	p1 =	sgt.s32 s20, $0x7F;
	s18 =	ssub.s32 $0x800, s19  }
0x4d: {  	s18 =	simm.s32 @p1 $0x0  }
0x4e: {  	s17 =	smul.u32 s18, s17;
	_ =	sdelay $0x1  }
0x4f: {  	s18 =	simm.s32 $0x1;
	s17 =	sand.u32 $0x3FFFFFFF, s17  }
0x50: {  	s18 =	simm.s32 @!p0 $0x0;
	_ =	swait.ge [sflag:s5], s17  }
0x51: {  	s28 =	sshll.u32 s18, $0xE;
	s17 =	ssub.s32 $0x0, s17;
	[sflag:s5] =	ssyncset.done $0x0  }
0x52: {  	s29 =	sor.u32 $0x40, s28;
	[sflag:s5] =	ssyncadd.s32 s17  }
0x53: {  	s30 =	smul.u32 $0x10200, s18;
	v0 =	vld [tilespmem:s29+$0x30]  }
0x54: {  	v1 =	vld [tilespmem:s29+$0xFFFFFFD0]  }
0x55: {  	s17 =	sshrl.u32 s30, $0x2;
	v5 =	vld [tilespmem:s29+$0xFFFFFFE0]  }
0x56: {  	s18 =	sor.u32 $0x8000, s17;
	v6 =	vld [tilespmem:s29+$0xFFFFFFF0]  }
0x57: {  	s31 =	sand.u32 $0x1, s13;
	v4 =	vld [tilespmem:s29+$0x0];
	s19 =	sadd.s32 $0x0, s18  }
0x58: {  	s17 =	smul.u32 $0x10200, s31;
	v3 =	vld [tilespmem:s29+$0x10];
	[tilespmem:s19+$0x3870 ss:$0x81] =	vst.msk $0xffff, v0  }
0x59: {  	v2 =	vld [tilespmem:s29+$0x20];
	[tilespmem:s19+$0x810 ss:$0x81] =	vst.msk $0xffff, v1  }
0x5a: {  	s20 =	sadd.s32 $0x80, s29;
	s17 =	sshrl.u32 s17, $0x2;
	v0 =	vld [tilespmem:s29+$0xFFFFFFC0];
	[tilespmem:s19+$0x1020 ss:$0x81] =	vst.msk $0xffff, v5  }
0x5b: {  	s22 =	simm.s32 $0x8;
	s21 =	simm.s32 $0x4;
	s17 =	sor.u32 $0x8000, s17;
	v1 =	vld [tilespmem:s20+$0x30];
	[tilespmem:s19+$0x1830 ss:$0x81] =	vst.msk $0xffff, v6  }
.LBB1_3:
0x5c: {  	p1 =	sne.s32 s22, $0x1FC;
	v5 =	vld [tilespmem:s20+$0xFFFFFFD0];
	[tilespmem:s19+$0x2040 ss:$0x81] =	vst.msk $0xffff, v4  }
0x5d: {  	v6 =	vld [tilespmem:s20+$0xFFFFFFE0];
	[tilespmem:s19+$0x2850 ss:$0x81] =	vst.msk $0xffff, v3  }
0x5e: {  	s23 =	sshra.s32 s21, $0x2;
	s21 =	smov.u32 s22;
	v7 =	vld [tilespmem:s20+$0xFFFFFFF0];
	[tilespmem:s19+$0x3060 ss:$0x81] =	vst.msk $0xffff, v2  }
.Ltmp3:
0x5f: {  	v4 =	vld [tilespmem:s20+$0x0];
	[tilespmem:s19+$0x0 ss:$0x81] =	vst.msk $0xffff, v0;
	s19 =	sadd.s32 s23, s18;
	(pc) =	sbr.rel @p1 .LBB1_3-.Ltmp3, $4  }
0x60: {  	v3 =	vld [tilespmem:s20+$0x10];
	[tilespmem:s19+$0x3870 ss:$0x81] =	vst.msk $0xffff, v1  }
0x61: {  	[tilespmem:s19+$0x810 ss:$0x81] =	vst.msk $0xffff, v5;
	v2 =	vld [tilespmem:s20+$0x20]  }
0x62: {  	v0 =	vld [tilespmem:s20+$0xFFFFFFC0];
	[tilespmem:s19+$0x1020 ss:$0x81] =	vst.msk $0xffff, v6;
	s20 =	sadd.s32 $0x80, s20  }
0x63: {  	s22 =	sadd.s32 $0x4, s22;
	v1 =	vld [tilespmem:s20+$0x30];
	[tilespmem:s19+$0x1830 ss:$0x81] =	vst.msk $0xffff, v7  }
.Ltmp4:
0x64: {  	_ = 	snop;
	(pc) =	sbr.rel .LBB1_4-.Ltmp4, $1  }
0x65: {  	_ =	sdelay $0x3  }
.LBB1_6:
0x66: {  	_ =	sfence.sel $0x180000  }
0x67: {  	s2 =	simm.s32 $0x1;
	[bflag:$0x0] =	sbarrier.arrive $0xFFFF  }
0x68: {  	s31 =	simm.s32 $0x2;
	[sflag:s2] =	ssyncpa.u1 $0x1  }
0x69: {  	[sflag:s31] =	ssyncpa.u1 $0x1  }
0x6a: {  	p0 =	sne.s32 s0, $0x0;
	_ =	strace $0x90000050  }
0x6b: {  	s0 =	sadd.s32 @!p0 $0x100000, s1;
	[bflag:$0x2] =	sbarrier.arrive $0xFFFF  }
0x6c: {  	[sflag:s0] =	ssyncadd.tile.s32 @!p0 $0x1;
	_ =	shalt  }
.Lfunc_end1:
_tile_overlayer_lowered:
.L_overlay_start_2:
0x6d: {  	(tag) =	ssettag $0x2  }
0x6e: {  	s0 =	rddreg [dreg:$0x0];
	s2 =	stileid.u32  }
0x6f: {  	s1 =	rddreg [dreg:$0x1];
	p0 =	sne.s32 s2, $0x0  }
0x70: {  	s3 =	rddreg [dreg:$0x2];
	[bflag:$0x3] =	sbarrier.arrive $0xFFFF;
	s2 =	simm.s32 @!p0 $0x1C01  }
0x71: {  	[timem:s3], [sflag:s2] =	dma.local @!p0 [hbm:s0], s1  }
0x72: {  	s0 =	simm.s32 @!p0 $0x1  }
0x73: {  	_ =	swait.ge @!p0 [sflag:s0], s1  }
0x74: {  	s1 =	ssub.s32 @!p0 $0x0, s1;
	[sflag:s0] =	ssyncset.done @!p0 $0x0  }
0x75: {  	[sflag:s0] =	ssyncadd.s32 @!p0 s1  }
0x76: {  	[bflag:$0x3] =	sbarrier.arrive $0xFFFF  }
0x77: {  	_ =	shalt  }

// kernel: sparse-core-data-format-call.2.cloned.1.call-start
scs
called_computation.2_lowered:
.L_overlay_start_0:
0x0: {  	s2 =	sld [smem:$0x3FD9]  }
0x1: {  	s3 =	sld [smem:$0x3FFE];
	_ =	sdelay $0x1  }
0x2: {  	s1 =	srdreg.scid  }
0x3: {  	s0 =	sand.u32 $0x1, s1  }
0x4: {  	s18 =	sshll.u32 s0, $0xA;
	s2 =	sadd.s32 s3, s2  }
0x5: {  	s2 =	sadd.s32 s2, s18  }
0x6: {  	[smem:$0x3FBB] =	sst s2  }
0x7: {  	_ = 	snop  }
0x8: {  	(tm) =	ssettm $0x1  }
0x9: {  	s19 =	sld [smem:$0x3FFB];
	_ =	sdelay $0x3  }
0xa: {  	_ =	strace s19  }
0xb: {  	s2 =	sld [smem:$0x3FFC];
	_ =	sdelay $0x3  }
0xc: {  	_ =	strace s2  }
0xd: {  	s2 =	sld [smem:$0x3FFD];
	_ =	sdelay $0x3  }
0xe: {  	_ =	strace s2  }
0xf: {  	_ =	strace $0x8FFFFFFF  }
0x10: {  	s20 =	sld [smem:$0x3FDB];
	_ =	sdelay $0x1  }
0x11: {  	s21 =	simm.s32 $_scs_section_size  }
0x12: {  	s4 =	simm.s32 $_size__tile_overlayer_lowered;
	s5 =	simm.s32 $_tile_overlayer_lowered  }
0x13: {  	s6 =	simm.s32 $0x1BFF;
	s22 =	sshll.u32 s5, $0x1;
	s3 =	sadd.s32 s21, s20  }
0x14: {  	s23 =	simm.s32 $0x0;
	s4 =	sshll.u32 s4, $0x1;
	s5 =	sadd.s32 s22, s3  }
0x15: {  	[timem:s23], [sflag:s6] =	dma.local [hbm:s5], s4  }
0x16: {  	_ =	swait.ge [sflag:s6], s4  }
0x17: {  	s4 =	ssub.s32 $0x0, s4;
	[sflag:s6] =	ssyncset.done $0x0  }
0x18: {  	[sflag:s6] =	ssyncadd.s32 s4;
	_ =	sdelay $0x1  }
0x19: {  	s24 =	simm.s32 $0x1B8B  }
0x1a: {  	_ =	swait.ge [sflag:s24], $0x1  }
0x1b: {  	[sflag:s24] =	ssyncset.done $0x0  }
0x1c: {  	[sflag:s24] =	ssyncadd.s32 $0xFFFFFFFF  }
0x1d: {  	s4 =	sld [smem:$0x0]  }
0x1e: {  	s5 =	sand.u32 $0xFFFFFFFE, s1  }
0x1f: {  	p0 =	sne.s32 s1, s5  }
0x20: {  	s5 =	sshll.u32 @p0 s5, $0xE  }
0x21: {  	s5 =	sadd.s32 @p0 $0x11B8D, s5;
	s6 =	sshll.u32 @p0 s4, $0x11  }
0x22: {  	s5 =	sor.u32 @p0 s6, s5  }
0x23: {  	[sflag:s5] =	ssyncadd.remote.s32 @p0 $0x1;
	_ =	sdelay $0x1  }
0x24: {  	s5 =	simm.s32 @p0 $0x1B8D  }
0x25: {  	_ =	swait.eq @p0 [sflag:s5], $0x1  }
0x26: {  	[sflag:s5] =	ssyncadd.s32 @p0 $0xFFFFFFFF  }
0x27: {  	s6 =	sshll.u32 @!p0 s1, $0xE  }
0x28: {  	s6 =	sor.u32 @!p0 $0x4000, s6;
	s5 =	simm.s32 @!p0 $0x1B8D  }
0x29: {  	s4 =	sshll.u32 @!p0 s4, $0x11;
	s6 =	sadd.s32 @!p0 $0x11B8D, s6;
	_ =	swait.eq @!p0 [sflag:s5], $0x1  }
0x2a: {  	s4 =	sor.u32 @!p0 s4, s6;
	[sflag:s5] =	ssyncadd.s32 @!p0 $0xFFFFFFFF  }
0x2b: {  	s26 =	simm.s32 $0x1B8E;
	s25 =	sld [smem:$0x3FFE];
	[sflag:s4] =	ssyncadd.remote.s32 @!p0 $0x1  }
0x2c: {  	s27 =	simm.s32 $execute0_lowered;
	[smem:$0x3FD2] =	sst s26  }
0x2d: {  	s5 =	sshll.u32 s27, $0x1;
	_ =	strace $0x8000004C;
	[dreg:$0x1] =	wrdreg $0xFFFFFFFF  }
0x2e: {  	s28 =	simm.s32 $_size_execute0_lowered;
	s3 =	sadd.s32 s3, s5;
	[dreg:$0x0] =	wrdreg $0x0  }
0x2f: {  	s5 =	sshll.u32 s28, $0x1;
	[dreg:$0x2] =	wrdreg s3  }
0x30: {  	[dreg:$0x3] =	wrdreg s5  }
0x31: {  	[dreg:$0x4] =	wrdreg $0xC0  }
0x32: {  	_ =	task [dreg:s23], $0x5FFFF  }
0x33: {  	[dreg:$0x1] =	wrdreg $0xFFFFFFFF  }
0x34: {  	[dreg:$0x0] =	wrdreg $0x60  }
0x35: {  	[dreg:$0x2] =	wrdreg s25  }
0x36: {  	[dreg:$0x3] =	wrdreg $0xB  }
0x37: {  	_ =	task.clear_ibuf [dreg:s23], $0x4FFFF;
	_ =	strace $0x9000004C  }
0x38: {  	s29 =	simm.s32 $0xB;
	_ =	strace $0x8000004E  }
0x39: {  	_ =	swait.ge [sflag:s29], $0x1  }
0x3a: {  	[sflag:s29] =	ssyncadd.s32 $0xFFFFFFFF  }
0x3b: {  	_ =	strace $0x9000004E  }
0x3c: {  	_ =	sfence  }
0x3d: {  	s30 =	sld [smem:$0x0];
	_ =	sdelay $0x2  }
0x3e: {  	s31 =	sshll.u32 s1, $0xD;
	s1 =	sshrl.u32 s1, $0x2  }
0x3f: {  	s4 =	sand.u32 $0x4000, s31;
	s1 =	sadd.s32 s1, s30  }
0x40: {  	s0 =	sor.u32 s4, s0;
	s1 =	sshll.u32 s1, $0x11  }
0x41: {  	s0 =	sor.u32 s1, s0  }
0x42: {  	s0 =	sadd.s32 $0x8F2B, s0  }
0x43: {  	[sflag:s0] =	ssyncadd.remote.s32 $0x1  }
0x44: {  	_ =	sfence.sel $0xFFFF  }
0x45: {  	[dreg:$0x0] =	wrdreg $0xFFFFFFFF;
	(pc) =	sbr.abs _section_cstart, $3  }
0x46: {  	[dreg:$0x1] =	wrdreg $0xFFFFFFFF  }
0x47: {  	_ =	task.clear_ibuf [dreg:s23], $0x2FFFF;
	_ =	strace $0x9FFFFFFF  }
0x48: {  	(tm) =	ssettm $0x7FFFFFFF  }
0x49: {  	_ =	shalt  }
tec
execute0_lowered:
.L_overlay_start_1:
0x0: {  	(tag) =	ssettag $0x1  }
0x1: {  	s0 =	srdreg.scid;
	s6 =	rddreg [dreg:$0x0]  }
0x2: {  	s31 =	simm.s32 $0x2;
	s15 =	simm.s32 $0x0;
	s1 =	sshll.u32 s0, $0x4  }
0x3: {  	s9 =	simm.s32 $0x1000;
	s0 =	stileid.u32;
	s1 =	sand.u32 $0x10, s1  }
0x4: {  	s10 =	simm.s32 $0x268000;
	s11 =	simm.s32 $0x0;
	s3 =	sor.u32 s0, s1  }
0x5: {  	s14 =	simm.s32 $0x0;
	s13 =	simm.s32 $0x0;
	s2 =	sshll.u32 s3, $0x6  }
0x6: {  	s4 =	sshll.u32 s0, $0x3;
	s1 =	rddreg [dreg:$0x1];
	s2 =	sand.u32 $0x600, s2  }
0x7: {  	s7 =	sshll.u32 s3, $0x5;
	s3 =	sand.u32 $0x38, s4;
	s5 =	ssub.s32 $0x800, s2  }
0x8: {  	_ =	strace $0x8000004D;
	s8 =	ssub.s32 $0x4C8, s3;
	s30 =	sand.u32 $0x600, s5  }
0x9: {  	s4 =	simm.s32 $0x1;
	s8 =	sshrl.u32 s8, $0x6;
	p0 =	sne.s32 s30, $0x0  }
.Ltmp0:
0xa: {  	s5 =	sshrl.u32 s5, $0xB;
	s4 =	simm.s32 @!p0 $0x0;
	(pc) =	sbr.rel .LBB1_1-.Ltmp0, $4  }
0xb: {  	s7 =	sand.u32 $0x300, s7;
	s8 =	sadd.s32 $0x1, s8;
	s5 =	sadd.s32 s4, s5  }
0xc: {  	s12 =	smov.u32 s3;
	s4 =	simm.s32 $0x1;
	s5 =	smul.u32 s8, s5  }
0xd: {  	s7 =	sadd.s32 s7, s6;
	s6 =	sadd.s32 $0x371600, s6;
	[sflag:s4] =	ssyncpa.u1 $0x0  }
0xe: {  	s7 =	sadd.s32 $0x3D800, s7;
	[sflag:s31] =	ssyncpa.u1 $0x0;
	s8 =	sadd.s32 $0x1, s5  }
.LBB1_7:
0xf: {  	s16 =	sadd.s32 $0x40, s12  }
0x10: {  	p1 =	sgt.s32 s16, $0x4CC  }
0x11: {  	s16 =	smov.u32 @p1 s3;
	p1 =	sne.s32 s13, s8  }
.Ltmp1:
0x12: {  	p0 =	slt.u32 s13, $0x2;
	(pc) =	sbr.rel @!p1 .LBB1_8-.Ltmp1, $4  }
0x13: {  	s15 =	simm.s32 @!p0 $0x2  }
0x14: {  	s17 =	sadd.s32 $0x1, s13;
	s14 =	smov.u32 s12;
	_ =	swait.ge @!p0 [sflag:s15], $0x4000  }
0x15: {  	s11 =	sadd.s32 $0x4000, s11;
	s13 =	smov.u32 s17;
	[sflag:s15] =	ssyncset.done @!p0 $0x0  }
0x16: {  	s12 =	smov.u32 s16;
	[sflag:s15] =	ssyncadd.s32 @!p0 $0xFFFFC000;
	s15 =	smov.u32 s2  }
.LBB1_1:
0x17: {  	p0 =	sge.u32 s13, s5  }
0x18: {  	p1 =	sgt.s32 @!p0 s12, $0x4C5  }
0x19: {  	s16 =	smov.u32 s12;
	s17 =	sshra.s32 @!p0 s12, $0x1F;
	p1 =	por !p1, p0  }
0x1a: {  	s17 =	sand.u32 @!p0 s17, s12;
	s16 =	simm.s32 @p1 $0x4C5  }
0x1b: {  	s16 =	ssub.s32 @!p0 s16, s17  }
0x1c: {  	s31 =	sadd.s32 $0xFFFFFFFF, s13;
	s18 =	sxor.u32 @!p0 $0xFFFFFFFF, s13;
	s16 =	sadd.s32 @!p0 $0xFFFFFB3B, s16  }
0x1d: {  	s19 =	simm.s32 @!p0 $0x800;
	s20 =	simm.s32 @!p0 $0x2000;
	s17 =	sshll.u32 @!p0 s16, $0xB  }
0x1e: {  	p1 =	sgt.s32 @!p0 s16, $0x7;
	s16 =	ssub.s32 @!p0 $0x4000, s17;
	s17 =	sshll.u32 @!p0 s18, $0xE  }
0x1f: {  	p1 =	por !p1, p0;
	s18 =	sshll.u32 @!p0 s12, $0xA;
	s16 =	sand.u32 @!p0 $0x3FFFF800, s16  }
0x20: {  	s17 =	sand.u32 @!p0 $0x4000, s17;
	s18 =	sadd.s32 @!p0 s18, s7;
	s16 =	simm.s32 @!p1 $0x0  }
0x21: {  	[tilespmem:s17], [sflag:$0x1] =	stream.strided.gather @!p0 [hbm4b:s18+s19], s16, s20, s19, $0x38;
	[tilespmem:$0x10000] =	vst v63  }
0x22: {  	p0 =	sge.u32 s31, s5  }
.Ltmp2:
0x23: {  	_ = 	snop;
	(pc) =	sbr.rel @p0 .LBB1_7-.Ltmp2, $1  }
0x24: {  	_ =	sdelay $0x3  }
0x25: {  	p0 =	sgt.s32 s14, $0x4C5;
	s16 =	smov.u32 s14;
	s17 =	sshra.s32 s14, $0x1F  }
0x26: {  	s16 =	simm.s32 @!p0 $0x4C5;
	s17 =	sand.u32 s17, s14  }
0x27: {  	s16 =	ssub.s32 s16, s17  }
0x28: {  	s16 =	sadd.s32 $0xFFFFFB3B, s16  }
0x29: {  	s31 =	sshll.u32 s11, $0x2;
	s20 =	sshll.u32 s13, $0xE;
	s18 =	sshll.u32 s16, $0xB  }
0x2a: {  	s21 =	simm.s32 $0x0;
	s22 =	simm.s32 $0x0;
	s18 =	ssub.s32 $0x4000, s18  }
0x2b: {  	s17 =	sand.u32 $0x10000, s31;
	p0 =	sgt.s32 s16, $0x7;
	s16 =	sand.u32 $0x3FFFF800, s18  }
0x2c: {  	s20 =	sand.u32 $0x4000, s20;
	s19 =	sshrl.u32 s17, $0x2;
	s16 =	simm.s32 @p0 $0x0  }
0x2d: {  	s17 =	sor.u32 $0x400, s19;
	s18 =	sor.u32 $0x8000, s19;
	_ =	swait.ge [sflag:s4], s16  }
0x2e: {  	s19 =	sadd.s32 $0x8C00, s19;
	s16 =	ssub.s32 $0x0, s16;
	[sflag:s4] =	ssyncset.done $0x0  }
0x2f: {  	[sflag:s4] =	ssyncadd.s32 s16;
	s16 =	sor.u32 $0x8000, s20;
	s20 =	simm.s32 $0x0  }
.LBB1_3:
0x30: {  	v0 =	vmov s18;
	v1 =	vld [tilespmem:s17+$0x270]  }
0x31: {  	v2 =	vld [tilespmem:s17+$0xFFFFFC10]  }
0x32: {  	v3 =	vld [tilespmem:s17+$0xFFFFFC20]  }
0x33: {  	s23 =	sshll.u32 s21, $0x2;
	s24 =	sand.u32 $0x3, s20;
	v4 =	vld [tilespmem:s17+$0xFFFFFC30]  }
0x34: {  	v5 =	vld [tilespmem:s17+$0xFFFFFC40];
	s25 =	sand.u32 $0xFFFFF800, s23;
	s24 =	sshll.u32 s24, $0x9;
	s23 =	simm.s32 $0x0  }
0x35: {  	v6 =	vld [tilespmem:s17+$0xFFFFFC50];
	s24 =	sor.u32 s24, s25;
	[tilespmem:v0+s23+$0xC70 ss:$0x1] =	vst.idx.msk $0xffff, v1  }
0x36: {  	v7 =	vld [tilespmem:s17+$0x220];
	s24 =	sshrl.u32 s24, $0x2;
	[tilespmem:v0+s23+$0x10 ss:$0x1] =	vst.idx.msk $0xffff, v2  }
0x37: {  	v8 =	vld [tilespmem:s17+$0x230];
	s24 =	sadd.s32 s24, s19;
	[tilespmem:v0+s23+$0x20 ss:$0x1] =	vst.idx.msk $0xffff, v3  }
0x38: {  	v1 =	vmov s24;
	[tilespmem:v0+s23+$0x30 ss:$0x1] =	vst.idx.msk $0xffff, v4;
	v4 =	vld [tilespmem:s17+$0xFFFFFE00]  }
0x39: {  	[tilespmem:v0+s23+$0x40 ss:$0x1] =	vst.idx.msk $0xffff, v5;
	v5 =	vld [tilespmem:s17+$0xFFFFFE10]  }
0x3a: {  	[tilespmem:v0+s23+$0x50 ss:$0x1] =	vst.idx.msk $0xffff, v6;
	v6 =	vld [tilespmem:s17+$0xFFFFFE20]  }
0x3b: {  	v2 =	vld [tilespmem:s17+$0xFFFFFC60];
	[tilespmem:v0+s23+$0xC20 ss:$0x1] =	vst.idx.msk $0xffff, v7  }
0x3c: {  	v3 =	vld [tilespmem:s17+$0xFFFFFC70];
	[tilespmem:v0+s23+$0xC30 ss:$0x1] =	vst.idx.msk $0xffff, v8  }
0x3d: {  	[tilespmem:v1+s23+$0xFFFFF800 ss:$0x1] =	vst.idx.msk $0xffff, v4;
	v4 =	vld [tilespmem:s17+$0xFFFFFE50]  }
0x3e: {  	[tilespmem:v0+s23+$0x410 ss:$0x1] =	vst.idx.msk $0xffff, v5;
	v5 =	vld [tilespmem:s17+$0xFFFFFE60]  }
0x3f: {  	[tilespmem:v0+s23+$0x420 ss:$0x1] =	vst.idx.msk $0xffff, v6;
	v6 =	vld [tilespmem:s17+$0xFFFFFE70]  }
0x40: {  	[tilespmem:v0+s23+$0x60 ss:$0x1] =	vst.idx.msk $0xffff, v2;
	v2 =	vld [tilespmem:s17+$0xFFFFFE30]  }
0x41: {  	[tilespmem:v0+s23+$0x70 ss:$0x1] =	vst.idx.msk $0xffff, v3;
	v3 =	vld [tilespmem:s17+$0xFFFFFE40]  }
0x42: {  	[tilespmem:v0+s23+$0x450 ss:$0x1] =	vst.idx.msk $0xffff, v4;
	v4 =	vld [tilespmem:s17+$0x20]  }
0x43: {  	[tilespmem:v0+s23+$0x460 ss:$0x1] =	vst.idx.msk $0xffff, v5;
	v5 =	vld [tilespmem:s17+$0x30]  }
0x44: {  	[tilespmem:v0+s23+$0x470 ss:$0x1] =	vst.idx.msk $0xffff, v6;
	v6 =	vld [tilespmem:s17+$0x40]  }
0x45: {  	[tilespmem:v0+s23+$0x430 ss:$0x1] =	vst.idx.msk $0xffff, v2;
	v2 =	vld [tilespmem:s17+$0x0]  }
0x46: {  	[tilespmem:v0+s23+$0x440 ss:$0x1] =	vst.idx.msk $0xffff, v3;
	v3 =	vld [tilespmem:s17+$0x10]  }
0x47: {  	[tilespmem:v0+s23+$0x820 ss:$0x1] =	vst.idx.msk $0xffff, v4;
	v4 =	vld [tilespmem:s17+$0x70]  }
0x48: {  	[tilespmem:v0+s23+$0x830 ss:$0x1] =	vst.idx.msk $0xffff, v5;
	v5 =	vld [tilespmem:s17+$0x200]  }
0x49: {  	[tilespmem:v0+s23+$0x840 ss:$0x1] =	vst.idx.msk $0xffff, v6;
	v6 =	vld [tilespmem:s17+$0x210]  }
0x4a: {  	[tilespmem:v1+s23+$0xFFFFFC00 ss:$0x1] =	vst.idx.msk $0xffff, v2;
	v2 =	vld [tilespmem:s17+$0x50]  }
0x4b: {  	[tilespmem:v0+s23+$0x810 ss:$0x1] =	vst.idx.msk $0xffff, v3;
	v3 =	vld [tilespmem:s17+$0x60]  }
0x4c: {  	[tilespmem:v0+s23+$0x870 ss:$0x1] =	vst.idx.msk $0xffff, v4;
	v4 =	vld [tilespmem:s17+$0x240]  }
0x4d: {  	[tilespmem:v1+s23+$0x0 ss:$0x1] =	vst.idx.msk $0xffff, v5;
	v5 =	vld [tilespmem:s17+$0x250]  }
0x4e: {  	[tilespmem:v0+s23+$0xC10 ss:$0x1] =	vst.idx.msk $0xffff, v6;
	v6 =	vld [tilespmem:s17+$0x260]  }
0x4f: {  	s24 =	sadd.s32 $0x80, s17;
	[tilespmem:v0+s23+$0x850 ss:$0x1] =	vst.idx.msk $0xffff, v2;
	v2 =	vld [tilespmem:s17+$0xFFFFFC00]  }
0x50: {  	s26 =	simm.s32 $0x8000;
	s25 =	simm.s32 $0x4000;
	[tilespmem:v0+s23+$0x860 ss:$0x1] =	vst.idx.msk $0xffff, v3;
	v3 =	vld [tilespmem:s24+$0x270]  }
.LBB1_4:
0x51: {  	p0 =	sne.s32 s26, $0xC000;
	v7 =	vld [tilespmem:s24+$0xFFFFFC10];
	[tilespmem:v0+s23+$0xC40 ss:$0x1] =	vst.idx.msk $0xffff, v4  }
0x52: {  	v4 =	vld [tilespmem:s24+$0xFFFFFC20];
	[tilespmem:v0+s23+$0xC50 ss:$0x1] =	vst.idx.msk $0xffff, v5  }
0x53: {  	v5 =	vld [tilespmem:s24+$0xFFFFFC30];
	[tilespmem:v0+s23+$0xC60 ss:$0x1] =	vst.idx.msk $0xffff, v6  }
0x54: {  	v6 =	vld [tilespmem:s24+$0xFFFFFC40];
	[tilespmem:v0+s23+$0x0 ss:$0x1] =	vst.idx.msk $0xffff, v2;
	s23 =	sshra.s32 s25, $0x2;
	s25 =	smov.u32 s26  }
0x55: {  	v2 =	vld [tilespmem:s24+$0xFFFFFC50];
	[tilespmem:v0+s23+$0xC70 ss:$0x1] =	vst.idx.msk $0xffff, v3  }
0x56: {  	[tilespmem:v0+s23+$0x10 ss:$0x1] =	vst.idx.msk $0xffff, v7;
	v3 =	vld [tilespmem:s24+$0xFFFFFC60]  }
0x57: {  	[tilespmem:v0+s23+$0x20 ss:$0x1] =	vst.idx.msk $0xffff, v4;
	v4 =	vld [tilespmem:s24+$0xFFFFFC70]  }
0x58: {  	[tilespmem:v0+s23+$0x30 ss:$0x1] =	vst.idx.msk $0xffff, v5;
	v5 =	vld [tilespmem:s24+$0xFFFFFE00]  }
0x59: {  	[tilespmem:v0+s23+$0x40 ss:$0x1] =	vst.idx.msk $0xffff, v6;
	v6 =	vld [tilespmem:s24+$0xFFFFFE10]  }
0x5a: {  	[tilespmem:v0+s23+$0x50 ss:$0x1] =	vst.idx.msk $0xffff, v2;
	v2 =	vld [tilespmem:s24+$0xFFFFFE20]  }
0x5b: {  	[tilespmem:v0+s23+$0x60 ss:$0x1] =	vst.idx.msk $0xffff, v3;
	v3 =	vld [tilespmem:s24+$0xFFFFFE30]  }
0x5c: {  	[tilespmem:v0+s23+$0x70 ss:$0x1] =	vst.idx.msk $0xffff, v4;
	v4 =	vld [tilespmem:s24+$0xFFFFFE40]  }
0x5d: {  	[tilespmem:v1+s23+$0xFFFFF800 ss:$0x1] =	vst.idx.msk $0xffff, v5;
	v5 =	vld [tilespmem:s24+$0xFFFFFE50]  }
0x5e: {  	[tilespmem:v0+s23+$0x410 ss:$0x1] =	vst.idx.msk $0xffff, v6;
	v6 =	vld [tilespmem:s24+$0xFFFFFE60]  }
0x5f: {  	[tilespmem:v0+s23+$0x420 ss:$0x1] =	vst.idx.msk $0xffff, v2;
	v2 =	vld [tilespmem:s24+$0xFFFFFE70]  }
0x60: {  	[tilespmem:v0+s23+$0x430 ss:$0x1] =	vst.idx.msk $0xffff, v3;
	v3 =	vld [tilespmem:s24+$0x0]  }
0x61: {  	[tilespmem:v0+s23+$0x440 ss:$0x1] =	vst.idx.msk $0xffff, v4;
	v4 =	vld [tilespmem:s24+$0x10]  }
0x62: {  	[tilespmem:v0+s23+$0x450 ss:$0x1] =	vst.idx.msk $0xffff, v5;
	v5 =	vld [tilespmem:s24+$0x20]  }
0x63: {  	[tilespmem:v0+s23+$0x460 ss:$0x1] =	vst.idx.msk $0xffff, v6;
	v6 =	vld [tilespmem:s24+$0x30]  }
0x64: {  	[tilespmem:v0+s23+$0x470 ss:$0x1] =	vst.idx.msk $0xffff, v2;
	v2 =	vld [tilespmem:s24+$0x40]  }
0x65: {  	[tilespmem:v1+s23+$0xFFFFFC00 ss:$0x1] =	vst.idx.msk $0xffff, v3;
	v3 =	vld [tilespmem:s24+$0x50]  }
0x66: {  	[tilespmem:v0+s23+$0x810 ss:$0x1] =	vst.idx.msk $0xffff, v4;
	v4 =	vld [tilespmem:s24+$0x60]  }
0x67: {  	[tilespmem:v0+s23+$0x820 ss:$0x1] =	vst.idx.msk $0xffff, v5;
	v5 =	vld [tilespmem:s24+$0x70]  }
0x68: {  	[tilespmem:v0+s23+$0x830 ss:$0x1] =	vst.idx.msk $0xffff, v6;
	v6 =	vld [tilespmem:s24+$0x200]  }
0x69: {  	[tilespmem:v0+s23+$0x840 ss:$0x1] =	vst.idx.msk $0xffff, v2;
	v2 =	vld [tilespmem:s24+$0x210]  }
0x6a: {  	[tilespmem:v0+s23+$0x850 ss:$0x1] =	vst.idx.msk $0xffff, v3;
	v3 =	vld [tilespmem:s24+$0x220]  }
0x6b: {  	[tilespmem:v0+s23+$0x860 ss:$0x1] =	vst.idx.msk $0xffff, v4;
	v7 =	vld [tilespmem:s24+$0x230]  }
.Ltmp3:
0x6c: {  	[tilespmem:v0+s23+$0x870 ss:$0x1] =	vst.idx.msk $0xffff, v5;
	v4 =	vld [tilespmem:s24+$0x240];
	(pc) =	sbr.rel @p0 .LBB1_4-.Ltmp3, $4  }
0x6d: {  	[tilespmem:v1+s23+$0x0 ss:$0x1] =	vst.idx.msk $0xffff, v6;
	v5 =	vld [tilespmem:s24+$0x250]  }
0x6e: {  	[tilespmem:v0+s23+$0xC10 ss:$0x1] =	vst.idx.msk $0xffff, v2;
	v6 =	vld [tilespmem:s24+$0x260]  }
0x6f: {  	v2 =	vld [tilespmem:s24+$0xFFFFFC00];
	[tilespmem:v0+s23+$0xC20 ss:$0x1] =	vst.idx.msk $0xffff, v3;
	s24 =	sadd.s32 $0x80, s24  }
0x70: {  	s26 =	sadd.s32 $0x4000, s26;
	v3 =	vld [tilespmem:s24+$0x270];
	[tilespmem:v0+s23+$0xC30 ss:$0x1] =	vst.idx.msk $0xffff, v7  }
0x71: {  	_ =	sdelay $0x3  }
0x72: {  	v7 =	vld [tilespmem:s24+$0xFFFFFC10];
	[tilespmem:v0+s23+$0xC40 ss:$0x1] =	vst.idx.msk $0xffff, v4  }
0x73: {  	v34 =	vld [tilespmem:s24+$0xFFFFFC20];
	[tilespmem:v0+s23+$0xC50 ss:$0x1] =	vst.idx.msk $0xffff, v5  }
0x74: {  	v35 =	vld [tilespmem:s24+$0xFFFFFC30];
	[tilespmem:v0+s23+$0xC60 ss:$0x1] =	vst.idx.msk $0xffff, v6  }
0x75: {  	s25 =	sshra.s32 s25, $0x2;
	v36 =	vld [tilespmem:s24+$0xFFFFFC40];
	[tilespmem:v0+s23+$0x0 ss:$0x1] =	vst.idx.msk $0xffff, v2  }
0x76: {  	v37 =	vld [tilespmem:s24+$0xFFFFFC50];
	[tilespmem:v0+s25+$0xC70 ss:$0x1] =	vst.idx.msk $0xffff, v3  }
0x77: {  	v38 =	vld [tilespmem:s24+$0xFFFFFC60];
	[tilespmem:v0+s25+$0x10 ss:$0x1] =	vst.idx.msk $0xffff, v7  }
0x78: {  	v39 =	vld [tilespmem:s24+$0xFFFFFC70];
	[tilespmem:v0+s25+$0x20 ss:$0x1] =	vst.idx.msk $0xffff, v34  }
0x79: {  	v40 =	vld [tilespmem:s24+$0xFFFFFE00];
	[tilespmem:v0+s25+$0x30 ss:$0x1] =	vst.idx.msk $0xffff, v35  }
0x7a: {  	v41 =	vld [tilespmem:s24+$0xFFFFFE10];
	[tilespmem:v0+s25+$0x40 ss:$0x1] =	vst.idx.msk $0xffff, v36  }
0x7b: {  	v42 =	vld [tilespmem:s24+$0xFFFFFE20];
	[tilespmem:v0+s25+$0x50 ss:$0x1] =	vst.idx.msk $0xffff, v37  }
0x7c: {  	v43 =	vld [tilespmem:s24+$0xFFFFFE30];
	[tilespmem:v0+s25+$0x60 ss:$0x1] =	vst.idx.msk $0xffff, v38  }
0x7d: {  	v44 =	vld [tilespmem:s24+$0xFFFFFE40];
	[tilespmem:v0+s25+$0x70 ss:$0x1] =	vst.idx.msk $0xffff, v39  }
0x7e: {  	v45 =	vld [tilespmem:s24+$0xFFFFFE50];
	[tilespmem:v1+s25+$0xFFFFF800 ss:$0x1] =	vst.idx.msk $0xffff, v40  }
0x7f: {  	v46 =	vld [tilespmem:s24+$0xFFFFFE60];
	[tilespmem:v0+s25+$0x410 ss:$0x1] =	vst.idx.msk $0xffff, v41  }
0x80: {  	v47 =	vld [tilespmem:s24+$0xFFFFFE70];
	[tilespmem:v0+s25+$0x420 ss:$0x1] =	vst.idx.msk $0xffff, v42  }
0x81: {  	v48 =	vld [tilespmem:s24+$0x0];
	[tilespmem:v0+s25+$0x430 ss:$0x1] =	vst.idx.msk $0xffff, v43  }
0x82: {  	v49 =	vld [tilespmem:s24+$0x10];
	[tilespmem:v0+s25+$0x440 ss:$0x1] =	vst.idx.msk $0xffff, v44  }
0x83: {  	v50 =	vld [tilespmem:s24+$0x20];
	[tilespmem:v0+s25+$0x450 ss:$0x1] =	vst.idx.msk $0xffff, v45  }
0x84: {  	v51 =	vld [tilespmem:s24+$0x30];
	[tilespmem:v0+s25+$0x460 ss:$0x1] =	vst.idx.msk $0xffff, v46  }
0x85: {  	v52 =	vld [tilespmem:s24+$0x40];
	[tilespmem:v0+s25+$0x470 ss:$0x1] =	vst.idx.msk $0xffff, v47  }
0x86: {  	v53 =	vld [tilespmem:s24+$0x50];
	[tilespmem:v1+s25+$0xFFFFFC00 ss:$0x1] =	vst.idx.msk $0xffff, v48  }
0x87: {  	v54 =	vld [tilespmem:s24+$0x60];
	[tilespmem:v0+s25+$0x810 ss:$0x1] =	vst.idx.msk $0xffff, v49  }
0x88: {  	v55 =	vld [tilespmem:s24+$0x70];
	[tilespmem:v0+s25+$0x820 ss:$0x1] =	vst.idx.msk $0xffff, v50  }
0x89: {  	v56 =	vld [tilespmem:s24+$0x200];
	[tilespmem:v0+s25+$0x830 ss:$0x1] =	vst.idx.msk $0xffff, v51  }
0x8a: {  	v57 =	vld [tilespmem:s24+$0x210];
	[tilespmem:v0+s25+$0x840 ss:$0x1] =	vst.idx.msk $0xffff, v52  }
0x8b: {  	v58 =	vld [tilespmem:s24+$0x220];
	[tilespmem:v0+s25+$0x850 ss:$0x1] =	vst.idx.msk $0xffff, v53  }
0x8c: {  	v59 =	vld [tilespmem:s24+$0x230];
	[tilespmem:v0+s25+$0x860 ss:$0x1] =	vst.idx.msk $0xffff, v54  }
0x8d: {  	v60 =	vld [tilespmem:s24+$0x240];
	[tilespmem:v0+s25+$0x870 ss:$0x1] =	vst.idx.msk $0xffff, v55  }
0x8e: {  	v61 =	vld [tilespmem:s24+$0x250];
	[tilespmem:v1+s25+$0x0 ss:$0x1] =	vst.idx.msk $0xffff, v56  }
0x8f: {  	v62 =	vld [tilespmem:s24+$0x260];
	s22 =	sadd.s32 $0x1, s22;
	[tilespmem:v0+s25+$0xC10 ss:$0x1] =	vst.idx.msk $0xffff, v57  }
0x90: {  	v63 =	vld [tilespmem:s24+$0xFFFFFC00];
	p0 =	sne.s32 s22, $0x8;
	[tilespmem:v0+s25+$0xC20 ss:$0x1] =	vst.idx.msk $0xffff, v58  }
.Ltmp4:
0x91: {  	[tilespmem:v0+s25+$0xC30 ss:$0x1] =	vst.idx.msk $0xffff, v59;
	(pc) =	sbr.rel @p0 .LBB1_3-.Ltmp4, $4  }
0x92: {  	[tilespmem:v0+s25+$0xC40 ss:$0x1] =	vst.idx.msk $0xffff, v60  }
0x93: {  	[tilespmem:v0+s25+$0xC50 ss:$0x1] =	vst.idx.msk $0xffff, v61  }
0x94: {  	s17 =	sadd.s32 $0x800, s17;
	[tilespmem:v0+s25+$0xC60 ss:$0x1] =	vst.idx.msk $0xffff, v62  }
0x95: {  	s21 =	sadd.s32 $0x80, s21;
	s20 =	sadd.s32 $0x1, s20;
	s18 =	sadd.s32 $0x80, s18;
	[tilespmem:v0+s25+$0x0 ss:$0x1] =	vst.idx.msk $0xffff, v63  }
0x96: {  	s17 =	sshll.u32 s14, $0xB  }
0x97: {  	s15 =	sshll.u32 s15, $0x3;
	s17 =	sand.u32 $0xFFFFC000, s17  }
0x98: {  	s15 =	sor.u32 s15, s17  }
0x99: {  	s15 =	sshrl.u32 s15, $0xB  }
0x9a: {  	s30 =	smulhi.u32 $0x3531DF, s15;
	_ =	sdelay $0x1  }
0x9b: {  	s17 =	smul.u32 $0x4D0, s30  }
.Ltmp5:
0x9c: {  	s31 =	sshll.u32 s14, $0x4;
	(pc) =	sbr.rel .LBB1_7-.Ltmp5, $4  }
0x9d: {  	s14 =	sand.u32 $0x70, s31;
	s15 =	ssub.s32 s15, s17  }
0x9e: {  	s14 =	sadd.s32 s6, s14;
	s15 =	sshll.u32 s15, $0x8  }
0x9f: {  	s14 =	sadd.s32 s15, s14  }
0xa0: {  	[hbm4b:s14+s9] =	stream.strided.scatter [tilespmem:s16], [sflag:$0x2], $0x4000, s10, s9, $0x38;
	[tilespmem:$0x10000] =	vst v63  }
.LBB1_8:
0xa1: {  	_ =	sfence.sel $0x180000  }
0xa2: {  	s2 =	simm.s32 $0x1;
	[bflag:$0x0] =	sbarrier.arrive $0xFFFF  }
0xa3: {  	s31 =	simm.s32 $0x2;
	[sflag:s2] =	ssyncpa.u1 $0x1  }
0xa4: {  	[sflag:s31] =	ssyncpa.u1 $0x1  }
0xa5: {  	p0 =	sne.s32 s0, $0x0;
	_ =	strace $0x9000004D  }
0xa6: {  	s0 =	sadd.s32 @!p0 $0x100000, s1;
	[bflag:$0x2] =	sbarrier.arrive $0xFFFF  }
0xa7: {  	[sflag:s0] =	ssyncadd.tile.s32 @!p0 $0x1;
	_ =	shalt  }
.Lfunc_end1:
_tile_overlayer_lowered:
.L_overlay_start_2:
0xa8: {  	(tag) =	ssettag $0x2  }
0xa9: {  	s0 =	rddreg [dreg:$0x0];
	s2 =	stileid.u32  }
0xaa: {  	s1 =	rddreg [dreg:$0x1];
	p0 =	sne.s32 s2, $0x0  }
0xab: {  	s3 =	rddreg [dreg:$0x2];
	[bflag:$0x3] =	sbarrier.arrive $0xFFFF;
	s2 =	simm.s32 @!p0 $0x1C01  }
0xac: {  	[timem:s3], [sflag:s2] =	dma.local @!p0 [hbm:s0], s1  }
0xad: {  	s0 =	simm.s32 @!p0 $0x1  }
0xae: {  	_ =	swait.ge @!p0 [sflag:s0], s1  }
0xaf: {  	s1 =	ssub.s32 @!p0 $0x0, s1;
	[sflag:s0] =	ssyncset.done @!p0 $0x0  }
0xb0: {  	[sflag:s0] =	ssyncadd.s32 @!p0 s1  }
0xb1: {  	[bflag:$0x3] =	sbarrier.arrive $0xFFFF  }
0xb2: {  	_ =	shalt  }

// kernel: sparse-core-data-format-call.cloned.1.call-start
scs
called_computation_lowered:
.L_overlay_start_0:
0x0: {  	s1 =	sld [smem:$0x3FD9]  }
0x1: {  	s2 =	sld [smem:$0x3FFE];
	_ =	sdelay $0x1  }
0x2: {  	s3 =	srdreg.scid  }
0x3: {  	s0 =	sand.u32 $0x1, s3  }
0x4: {  	s17 =	sshll.u32 s0, $0xA;
	s1 =	sadd.s32 s2, s1  }
0x5: {  	s1 =	sadd.s32 s1, s17  }
0x6: {  	[smem:$0x3FBB] =	sst s1  }
0x7: {  	_ = 	snop  }
0x8: {  	(tm) =	ssettm $0x1  }
0x9: {  	s18 =	sld [smem:$0x3FFB];
	_ =	sdelay $0x3  }
0xa: {  	_ =	strace s18  }
0xb: {  	s1 =	sld [smem:$0x3FFC];
	_ =	sdelay $0x3  }
0xc: {  	_ =	strace s1  }
0xd: {  	s1 =	sld [smem:$0x3FFD];
	_ =	sdelay $0x3  }
0xe: {  	_ =	strace s1  }
0xf: {  	_ =	strace $0x8FFFFFFF  }
0x10: {  	s19 =	sld [smem:$0x3FDB];
	_ =	sdelay $0x1  }
0x11: {  	s20 =	simm.s32 $_scs_section_size  }
0x12: {  	s4 =	simm.s32 $_size__tile_overlayer_lowered;
	s5 =	simm.s32 $_tile_overlayer_lowered  }
0x13: {  	s23 =	simm.s32 $0x1BFF;
	s22 =	sshll.u32 s5, $0x1;
	s1 =	sadd.s32 s20, s19  }
0x14: {  	s6 =	simm.s32 $0x0;
	s21 =	sshll.u32 s4, $0x1;
	s4 =	sadd.s32 s22, s1  }
0x15: {  	[timem:s6], [sflag:s23] =	dma.local [hbm:s4], s21  }
0x16: {  	_ =	swait.ge [sflag:s23], s21  }
0x17: {  	s2 =	ssub.s32 $0x0, s21;
	[sflag:s23] =	ssyncset.done $0x0  }
0x18: {  	[sflag:s23] =	ssyncadd.s32 s2;
	_ =	sdelay $0x1  }
0x19: {  	s24 =	simm.s32 $0x1B8B  }
0x1a: {  	_ =	swait.ge [sflag:s24], $0x1  }
0x1b: {  	[sflag:s24] =	ssyncset.done $0x0  }
0x1c: {  	s26 =	simm.s32 $0x1B8E;
	s25 =	sld [smem:$0x3FFE];
	[sflag:s24] =	ssyncadd.s32 $0xFFFFFFFF  }
0x1d: {  	s27 =	simm.s32 $execute0_lowered;
	[smem:$0x3FD2] =	sst s26  }
0x1e: {  	s4 =	sshll.u32 s27, $0x1;
	_ =	strace $0x80000049;
	[dreg:$0x1] =	wrdreg $0xFFFFFFFF  }
0x1f: {  	s28 =	simm.s32 $_size_execute0_lowered;
	s1 =	sadd.s32 s1, s4;
	[dreg:$0x0] =	wrdreg $0x0  }
0x20: {  	s4 =	sshll.u32 s28, $0x1;
	[dreg:$0x2] =	wrdreg s1  }
0x21: {  	[dreg:$0x3] =	wrdreg s4  }
0x22: {  	[dreg:$0x4] =	wrdreg $0xC0  }
0x23: {  	_ =	task [dreg:s6], $0x5FFFF  }
0x24: {  	[dreg:$0x1] =	wrdreg $0xFFFFFFFF  }
0x25: {  	[dreg:$0x0] =	wrdreg $0x60  }
0x26: {  	[dreg:$0x2] =	wrdreg s25  }
0x27: {  	[dreg:$0x3] =	wrdreg $0x9  }
0x28: {  	_ =	task.clear_ibuf [dreg:s6], $0x4FFFF;
	_ =	strace $0x90000049  }
0x29: {  	s29 =	simm.s32 $0x9;
	_ =	strace $0x8000004B  }
0x2a: {  	_ =	swait.ge [sflag:s29], $0x1  }
0x2b: {  	[sflag:s29] =	ssyncadd.s32 $0xFFFFFFFF  }
0x2c: {  	_ =	strace $0x9000004B  }
0x2d: {  	_ =	sfence  }
0x2e: {  	s30 =	sld [smem:$0x0];
	_ =	sdelay $0x2  }
0x2f: {  	s31 =	sshll.u32 s3, $0xD;
	s3 =	sshrl.u32 s3, $0x2  }
0x30: {  	s2 =	sand.u32 $0x4000, s31;
	s1 =	sadd.s32 s3, s30  }
0x31: {  	s0 =	sor.u32 s2, s0;
	s1 =	sshll.u32 s1, $0x11  }
0x32: {  	s0 =	sor.u32 s1, s0  }
0x33: {  	s0 =	sadd.s32 $0x8F2B, s0  }
0x34: {  	[sflag:s0] =	ssyncadd.remote.s32 $0x1  }
0x35: {  	_ =	sfence.sel $0xFFFF  }
0x36: {  	[dreg:$0x0] =	wrdreg $0xFFFFFFFF;
	(pc) =	sbr.abs _section_cstart, $3  }
0x37: {  	[dreg:$0x1] =	wrdreg $0xFFFFFFFF  }
0x38: {  	_ =	task.clear_ibuf [dreg:s6], $0x2FFFF;
	_ =	strace $0x9FFFFFFF  }
0x39: {  	(tm) =	ssettm $0x7FFFFFFF  }
tec
execute0_lowered:
.L_overlay_start_1:
0x0: {  	(tag) =	ssettag $0x1  }
0x1: {  	s0 =	stileid.u32;
	s1 =	srdreg.scid  }
0x2: {  	s4 =	rddreg [dreg:$0x0];
	s7 =	simm.s32 $0x1;
	s31 =	simm.s32 $0x2  }
0x3: {  	s16 =	simm.s32 $0x0;
	s2 =	sshll.u32 s0, $0x5;
	s1 =	sshll.u32 s1, $0x9  }
0x4: {  	s9 =	simm.s32 $0x2000;
	s14 =	simm.s32 $0x0;
	s1 =	sor.u32 s2, s1  }
0x5: {  	s15 =	simm.s32 $0x0;
	s10 =	simm.s32 $0x0;
	s2 =	sand.u32 $0x380, s1  }
0x6: {  	s13 =	simm.s32 $0x0;
	s3 =	sadd.s32 $0x171600, s4;
	s5 =	ssub.s32 $0x400, s2  }
0x7: {  	s4 =	sadd.s32 $0x271600, s4;
	s1 =	rddreg [dreg:$0x1];
	s6 =	sand.u32 $0x380, s5  }
.Ltmp0:
0x8: {  	_ =	strace $0x8000004A;
	p0 =	sne.s32 s6, $0x0;
	(pc) =	sbr.rel .LBB1_1-.Ltmp0, $4  }
0x9: {  	s11 =	smov.u32 s2;
	s8 =	sshrl.u32 s5, $0xA;
	s7 =	simm.s32 @!p0 $0x0  }
0xa: {  	s5 =	sand.u32 $0x3, s0;
	s6 =	simm.s32 $0x1;
	s7 =	sadd.s32 s7, s8  }
0xb: {  	s12 =	smov.u32 s5;
	[sflag:s6] =	ssyncpa.u1 $0x0;
	s7 =	sshll.u32 s7, $0x4  }
0xc: {  	p0 =	por $0x0, $0x0;
	[sflag:s31] =	ssyncpa.u1 $0x0;
	s8 =	sor.u32 $0x1, s7  }
.LBB1_4:
0xd: {  	v5 =	vld [tilespmem:s20+$0xFFFFFFD0];
	[tilespmem:s19+$0x2040 ss:$0x81] =	vst.msk $0xffff, v1  }
0xe: {  	v58 =	vld [tilespmem:s20+$0xFFFFFFE0];
	[tilespmem:s19+$0x2850 ss:$0x81] =	vst.msk $0xffff, v2  }
0xf: {  	s21 =	sshra.s32 s21, $0x2;
	v59 =	vld [tilespmem:s20+$0xFFFFFFF0];
	[tilespmem:s19+$0x3060 ss:$0x81] =	vst.msk $0xffff, v3  }
0x10: {  	v60 =	vld [tilespmem:s20+$0x0];
	[tilespmem:s19+$0x0 ss:$0x81] =	vst.msk $0xffff, v0;
	s18 =	sadd.s32 s21, s18  }
0x11: {  	v61 =	vld [tilespmem:s20+$0x10];
	[tilespmem:s18+$0x3870 ss:$0x81] =	vst.msk $0xffff, v4  }
0x12: {  	v62 =	vld [tilespmem:s20+$0x20];
	s26 =	sshll.u32 s16, $0xA;
	s27 =	sshll.u32 s14, $0x3;
	[tilespmem:s18+$0x810 ss:$0x81] =	vst.msk $0xffff, v5  }
0x13: {  	v63 =	vld [tilespmem:s20+$0xFFFFFFC0];
	s29 =	sshll.u32 s16, $0x7;
	s30 =	sand.u32 $0x78, s14;
	s15 =	sshll.u32 s15, $0x12;
	[tilespmem:s18+$0x1020 ss:$0x81] =	vst.msk $0xffff, v58  }
0x14: {  	s19 =	sand.u32 $0x1FE000, s26;
	s28 =	sand.u32 $0x1FFC00, s27;
	s16 =	sand.u32 $0x380, s29;
	[tilespmem:s18+$0x1830 ss:$0x81] =	vst.msk $0xffff, v59  }
0x15: {  	s31 =	sand.u32 $0x7, s14;
	s19 =	sadd.s32 s28, s19;
	s16 =	sor.u32 s30, s16;
	[tilespmem:s18+$0x2040 ss:$0x81] =	vst.msk $0xffff, v60  }
0x16: {  	s15 =	sadd.s32 s4, s15;
	s19 =	sshrl.u32 s19, $0x3;
	s16 =	sshrl.u32 s16, $0x3;
	[tilespmem:s18+$0x2850 ss:$0x81] =	vst.msk $0xffff, v61  }
0x17: {  	s14 =	sshll.u32 s31, $0x12;
	s19 =	sand.u32 $0x3FF80, s19;
	s15 =	sadd.s32 s16, s15;
	[tilespmem:s18+$0x3060 ss:$0x81] =	vst.msk $0xffff, v62  }
0x18: {  	s14 =	sor.u32 $0x400, s14;
	[tilespmem:s18+$0x0 ss:$0x81] =	vst.msk $0xffff, v63;
	s15 =	sadd.s32 s19, s15  }
0x19: {  	[hbm4b:s15+s14] =	stream.strided.scatter [tilespmem:s17], [sflag:$0x2], $0x4000, s9, s14, $0x20;
	[tilespmem:$0x10100] =	vst v63  }
.LBB1_5:
0x1a: {  	s17 =	sadd.s32 $0x80, s10  }
0x1b: {  	s14 =	sadd.s32 $0x400, s11;
	s18 =	smov.u32 s11;
	p2 =	sgt.s32 s17, $0x7FF  }
0x1c: {  	s18 =	smov.u32 @p2 s14  }
0x1d: {  	s20 =	smov.u32 s12;
	s14 =	sadd.s32 $0x4, s12;
	p3 =	sgt.s32 s18, $0x3FF  }
0x1e: {  	s20 =	smov.u32 @p3 s14  }
0x1f: {  	s17 =	simm.s32 @p2 $0x0;
	p2 =	sgt.s32 s20, $0x3  }
0x20: {  	p1 =	slt.u32 s13, $0x2;
	s20 =	smov.u32 @p2 s5;
	p2 =	sne.s32 s13, s8  }
.Ltmp1:
0x21: {  	s19 =	simm.s32 @!p1 $0x2;
	(pc) =	sbr.rel @!p2 .LBB1_6-.Ltmp1, $4  }
0x22: {  	s16 =	smov.u32 s10;
	s15 =	smov.u32 s12;
	_ =	swait.ge @!p1 [sflag:s19], $0x4000  }
0x23: {  	p0 =	por !p0, !p0;
	[sflag:s19] =	ssyncset.done @!p1 $0x0;
	s10 =	smov.u32 s17  }
0x24: {  	s18 =	smov.u32 @p3 s2;
	s14 =	smov.u32 s11;
	[sflag:s19] =	ssyncadd.s32 @!p1 $0xFFFFC000  }
0x25: {  	s11 =	smov.u32 s18;
	s13 =	sadd.s32 $0x1, s13;
	s12 =	smov.u32 s20  }
.LBB1_1:
0x26: {  	p1 =	sge.u32 s13, s7;
	s31 =	sadd.s32 $0xFFFFFFFF, s13  }
0x27: {  	s17 =	sxor.u32 @!p1 $0xFFFFFFFF, s13;
	s18 =	sand.u32 @!p1 $0x78, s10;
	s19 =	sshll.u32 @!p1 s11, $0xB  }
0x28: {  	s20 =	sshll.u32 @!p1 s11, $0x7;
	s21 =	sshll.u32 @!p1 s10, $0x3;
	s17 =	sshll.u32 @!p1 s17, $0xE  }
0x29: {  	s19 =	sand.u32 @!p1 $0x1FC000, s19;
	s20 =	sand.u32 @!p1 $0x380, s20;
	s17 =	sand.u32 @!p1 $0x4000, s17  }
0x2a: {  	s19 =	sadd.s32 @!p1 s19, s21;
	s21 =	sand.u32 @!p1 $0x400, s21;
	s18 =	sor.u32 @!p1 s20, s18  }
0x2b: {  	s20 =	sshll.u32 @!p1 s12, $0x12;
	s18 =	sor.u32 @!p1 s21, s18;
	s19 =	sshrl.u32 @!p1 s19, $0x3  }
0x2c: {  	s20 =	sadd.s32 @!p1 s3, s20;
	s21 =	sand.u32 @!p1 $0x7, s10;
	s19 =	sand.u32 @!p1 $0x3FF00, s19  }
0x2d: {  	s18 =	sshrl.u32 @!p1 s18, $0x3;
	s19 =	sadd.s32 @!p1 s19, s20;
	s20 =	sshll.u32 @!p1 s21, $0x12  }
0x2e: {  	s18 =	sadd.s32 @!p1 s18, s19;
	s19 =	sor.u32 @!p1 $0x400, s20;
	s20 =	simm.s32 @!p1 $0x4000  }
0x2f: {  	[tilespmem:s17], [sflag:$0x1] =	stream.strided.gather @!p1 [hbm4b:s18+s19], $0x4000, s20, s19, $0x38;
	[tilespmem:$0x10100] =	vst v63  }
0x30: {  	p1 =	sge.u32 s31, s7  }
.Ltmp2:
0x31: {  	_ = 	snop;
	(pc) =	sbr.rel @p1 .LBB1_5-.Ltmp2, $1  }
0x32: {  	_ =	sdelay $0x3  }
0x33: {  	s17 =	simm.s32 $0x1  }
0x34: {  	_ =	swait.ge [sflag:s6], $0x4000;
	s17 =	simm.s32 @!p0 $0x0  }
0x35: {  	[sflag:s6] =	ssyncset.done $0x0;
	s18 =	sshll.u32 s17, $0xE  }
0x36: {  	[sflag:s6] =	ssyncadd.s32 $0xFFFFC000;
	s20 =	sor.u32 $0x40, s18  }
0x37: {  	s17 =	smul.u32 $0x10200, s17;
	v0 =	vld [tilespmem:s20+$0x30]  }
0x38: {  	v3 =	vld [tilespmem:s20+$0xFFFFFFD0]  }
0x39: {  	s17 =	sshrl.u32 s17, $0x2;
	v4 =	vld [tilespmem:s20+$0xFFFFFFE0]  }
0x3a: {  	v5 =	vld [tilespmem:s20+$0xFFFFFFF0];
	s18 =	sor.u32 $0x8000, s17  }
0x3b: {  	s31 =	sand.u32 $0x1, s13;
	v1 =	vld [tilespmem:s20+$0x0];
	s19 =	sadd.s32 $0x0, s18  }
0x3c: {  	v2 =	vld [tilespmem:s20+$0x10];
	s17 =	smul.u32 $0x10200, s31;
	[tilespmem:s19+$0x3870 ss:$0x81] =	vst.msk $0xffff, v0  }
0x3d: {  	[tilespmem:s19+$0x810 ss:$0x81] =	vst.msk $0xffff, v3;
	v3 =	vld [tilespmem:s20+$0x20]  }
0x3e: {  	s17 =	sshrl.u32 s17, $0x2;
	v0 =	vld [tilespmem:s20+$0xFFFFFFC0];
	[tilespmem:s19+$0x1020 ss:$0x81] =	vst.msk $0xffff, v4;
	s20 =	sadd.s32 $0x80, s20  }
0x3f: {  	s21 =	simm.s32 $0x4;
	s22 =	simm.s32 $0x8;
	s17 =	sor.u32 $0x8000, s17;
	[tilespmem:s19+$0x1830 ss:$0x81] =	vst.msk $0xffff, v5;
	v4 =	vld [tilespmem:s20+$0x30]  }
.LBB1_3:
0x40: {  	p1 =	sne.s32 s22, $0x1FC;
	v5 =	vld [tilespmem:s20+$0xFFFFFFD0];
	[tilespmem:s19+$0x2040 ss:$0x81] =	vst.msk $0xffff, v1  }
0x41: {  	v6 =	vld [tilespmem:s20+$0xFFFFFFE0];
	[tilespmem:s19+$0x2850 ss:$0x81] =	vst.msk $0xffff, v2  }
0x42: {  	s23 =	sshra.s32 s21, $0x2;
	s21 =	smov.u32 s22;
	v7 =	vld [tilespmem:s20+$0xFFFFFFF0];
	[tilespmem:s19+$0x3060 ss:$0x81] =	vst.msk $0xffff, v3  }
.Ltmp3:
0x43: {  	v1 =	vld [tilespmem:s20+$0x0];
	[tilespmem:s19+$0x0 ss:$0x81] =	vst.msk $0xffff, v0;
	s19 =	sadd.s32 s23, s18;
	(pc) =	sbr.rel @p1 .LBB1_3-.Ltmp3, $4  }
0x44: {  	v2 =	vld [tilespmem:s20+$0x10];
	[tilespmem:s19+$0x3870 ss:$0x81] =	vst.msk $0xffff, v4  }
0x45: {  	[tilespmem:s19+$0x810 ss:$0x81] =	vst.msk $0xffff, v5;
	v3 =	vld [tilespmem:s20+$0x20]  }
0x46: {  	v0 =	vld [tilespmem:s20+$0xFFFFFFC0];
	[tilespmem:s19+$0x1020 ss:$0x81] =	vst.msk $0xffff, v6;
	s20 =	sadd.s32 $0x80, s20  }
0x47: {  	s22 =	sadd.s32 $0x4, s22;
	v4 =	vld [tilespmem:s20+$0x30];
	[tilespmem:s19+$0x1830 ss:$0x81] =	vst.msk $0xffff, v7  }
.Ltmp4:
0x48: {  	_ = 	snop;
	(pc) =	sbr.rel .LBB1_4-.Ltmp4, $1  }
0x49: {  	_ =	sdelay $0x3  }
.LBB1_6:
0x4a: {  	_ =	sfence.sel $0x180000  }
0x4b: {  	s2 =	simm.s32 $0x1;
	[bflag:$0x0] =	sbarrier.arrive $0xFFFF  }
0x4c: {  	s31 =	simm.s32 $0x2;
	[sflag:s2] =	ssyncpa.u1 $0x1  }
0x4d: {  	[sflag:s31] =	ssyncpa.u1 $0x1  }
0x4e: {  	p0 =	sne.s32 s0, $0x0;
	_ =	strace $0x9000004A  }
0x4f: {  	s0 =	sadd.s32 @!p0 $0x100000, s1;
	[bflag:$0x2] =	sbarrier.arrive $0xFFFF  }
0x50: {  	[sflag:s0] =	ssyncadd.tile.s32 @!p0 $0x1;
	_ =	shalt  }
.Lfunc_end1:
_tile_overlayer_lowered:
.L_overlay_start_2:
0x51: {  	(tag) =	ssettag $0x2  }
0x52: {  	s0 =	rddreg [dreg:$0x0];
	s2 =	stileid.u32  }
0x53: {  	s1 =	rddreg [dreg:$0x1];
	p0 =	sne.s32 s2, $0x0  }
0x54: {  	s3 =	rddreg [dreg:$0x2];
	[bflag:$0x3] =	sbarrier.arrive $0xFFFF;
	s2 =	simm.s32 @!p0 $0x1C01  }
0x55: {  	[timem:s3], [sflag:s2] =	dma.local @!p0 [hbm:s0], s1  }
0x56: {  	s0 =	simm.s32 @!p0 $0x1  }
0x57: {  	_ =	swait.ge @!p0 [sflag:s0], s1  }
0x58: {  	s1 =	ssub.s32 @!p0 $0x0, s1;
	[sflag:s0] =	ssyncset.done @!p0 $0x0  }
0x59: {  	[sflag:s0] =	ssyncadd.s32 @!p0 s1  }
0x5a: {  	[bflag:$0x3] =	sbarrier.arrive $0xFFFF  }
0x5b: {  	_ =	shalt  }

</sc_bundles>
